<compile_context>
chip_gen: v7x
topology: tpu7x:2x2x1
jax: 0.10.2.dev20260603
libtpu: 0.0.44.dev20260713+nightly
codegen_flags: <defaults>
</compile_context>

<pallas_src>
import functools

import jax
import jax.numpy as jnp
from jax import lax
from jax.experimental import pallas as pl
from jax.experimental.pallas import tpu as pltpu
from jax.experimental.pallas import tpu_sc as plsc

N = 10000
E = 320000
NUM_RES = 25
D = 128
G = 64

NPAD = 10240
STRIPE = NPAD // 16
K = 80
NCHUNK = E // K
CPT = NCHUNK // 32
KD = 80
CPTD = (E // KD) // 32
HW = 32
NH = NPAD * HW
HSTRIPE = NH // 16
F32 = jnp.float32
HI = jax.lax.Precision.HIGHEST

_mesh = plsc.VectorSubcoreMesh(core_axis_name="c", subcore_axis_name="s")



@functools.partial(
    pl.kernel,
    out_type=jax.ShapeDtypeStruct((2, NPAD), F32),
    mesh=_mesh,
    scratch_types=[
        pltpu.VMEM((CPTD, KD), jnp.int32),
        pltpu.VMEM((KD,), F32),
        pltpu.VMEM((STRIPE,), F32),
        pltpu.VMEM_SHARED((NPAD,), F32),
    ],
)
def _sc_degree(eidx, out, dst2d, ones_v, zbuf, deg_sh):
    c = lax.axis_index("c")
    s = lax.axis_index("s")

    def fill_ones(i, _):
        ones_v[pl.ds(i * 16, 16)] = jnp.full((16,), 1.0, F32)
        return 0
    lax.fori_loop(0, KD // 16, fill_ones, 0)

    def fill_z(i, _):
        zbuf[pl.ds(i * 16, 16)] = jnp.zeros((16,), F32)
        return 0
    lax.fori_loop(0, STRIPE // 16, fill_z, 0)

    pltpu.sync_copy(zbuf, deg_sh.at[pl.ds(s * STRIPE, STRIPE)])
    plsc.subcore_barrier()

    w = c * 16 + s
    pltpu.sync_copy(eidx.at[1, w], dst2d)

    def body(i, _):
        pltpu.sync_copy(ones_v, deg_sh.at[dst2d.at[i]], add=True)
        return 0
    lax.fori_loop(0, CPTD, body, 0)

    plsc.subcore_barrier()
    pltpu.sync_copy(deg_sh.at[pl.ds(s * STRIPE, STRIPE)],
                    out.at[c, pl.ds(s * STRIPE, STRIPE)])



@functools.partial(
    pl.kernel,
    out_type=jax.ShapeDtypeStruct((2, NH), F32),
    mesh=_mesh,
    scratch_types=[
        pltpu.VMEM((CPT, K), jnp.int32),
        pltpu.VMEM((K,), jnp.int32),
        pltpu.VMEM((K,), jnp.int32),
        pltpu.VMEM((K,), jnp.int32),
        pltpu.VMEM((K,), F32),
        pltpu.VMEM((K,), jnp.int32),
        pltpu.VMEM((STRIPE,), F32),
        pltpu.VMEM((STRIPE,), jnp.int32),
        pltpu.VMEM_SHARED((NH,), F32),
        pltpu.VMEM_SHARED((NPAD,), jnp.int32),
    ],
)
def _sc_hist(epk, pkd, out, packed, sa, da, wv, dv, qv,
             fbuf, xibuf, hist_sh, pk_sh):
    c = lax.axis_index("c")
    s = lax.axis_index("s")
    w = c * 16 + s

    def fill_z(i, _):
        fbuf[pl.ds(i * 16, 16)] = jnp.zeros((16,), F32)
        return 0
    lax.fori_loop(0, STRIPE // 16, fill_z, 0)

    def zero_hist(j, _):
        pltpu.sync_copy(fbuf, hist_sh.at[pl.ds(s * HSTRIPE + j * STRIPE,
                                               STRIPE)])
        return 0
    lax.fori_loop(0, HW, zero_hist, 0)

    pltpu.sync_copy(pkd.at[pl.ds(s * STRIPE, STRIPE)], xibuf)
    pltpu.sync_copy(xibuf, pk_sh.at[pl.ds(s * STRIPE, STRIPE)])

    pltpu.sync_copy(epk.at[w], packed)
    plsc.subcore_barrier()

    def body(i, _):
        def u(q, _):
            sl = pl.ds(q * 16, 16)
            v = packed[i, sl]
            sa[sl] = jnp.bitwise_and(v, jnp.int32(0xFFFF))
            da[sl] = lax.shift_right_logical(v, jnp.int32(16))
            return 0
        lax.fori_loop(0, K // 16, u, 0)
        pltpu.sync_copy(pk_sh.at[sa], wv)

        def mkq(q, _):
            sl = pl.ds(q * 16, 16)
            pw = wv[sl]
            qv[sl] = (lax.shift_left(da[sl], jnp.int32(5))
                      + jnp.bitwise_and(pw, jnp.int32(31)))
            dv[sl] = lax.bitcast_convert_type(
                jnp.bitwise_and(pw, jnp.int32(-32)), F32)
            return 0
        lax.fori_loop(0, K // 16, mkq, 0)
        pltpu.sync_copy(dv, hist_sh.at[qv], add=True)
        return 0
    lax.fori_loop(0, CPT, body, 0)

    plsc.subcore_barrier()
    pltpu.sync_copy(hist_sh.at[pl.ds(s * HSTRIPE, HSTRIPE)],
                    out.at[c, pl.ds(s * HSTRIPE, HSTRIPE)])



@functools.partial(
    pl.kernel,
    out_type=jax.ShapeDtypeStruct((2, NPAD, D), F32),
    mesh=_mesh,
    scratch_types=[
        pltpu.VMEM((CPT, K), jnp.int32),
        pltpu.VMEM((K,), jnp.int32),
        pltpu.VMEM((K,), jnp.int32),
        pltpu.VMEM((K,), jnp.int32),
        pltpu.VMEM((K,), jnp.int32),
        pltpu.VMEM((K, D), F32),
        pltpu.VMEM((K, D), F32),
        pltpu.VMEM_SHARED((NPAD, D), F32),
        pltpu.SemaphoreType.DMA,
        pltpu.SemaphoreType.DMA,
    ],
)
def _sc_aggregate(epk, g, out, packed, sa, da, sb, db, rows_a, rows_b,
                  agg_sh, sem_a, sem_b):
    c = lax.axis_index("c")
    s = lax.axis_index("s")

    def fill_z(i, _):
        rows_a[i // 8, pl.ds((i % 8) * 16, 16)] = jnp.zeros((16,), F32)
        return 0
    lax.fori_loop(0, K * (D // 16), fill_z, 0)

    def zero_stripe(j, _):
        pltpu.sync_copy(rows_a, agg_sh.at[pl.ds(s * STRIPE + j * K, K), :])
        return 0
    lax.fori_loop(0, STRIPE // K, zero_stripe, 0)
    plsc.subcore_barrier()

    w = c * 16 + s
    pltpu.sync_copy(epk.at[w], packed)

    def unpack(i, sbuf, dbuf):
        def u(q, _):
            v = packed[i, pl.ds(q * 16, 16)]
            sbuf[pl.ds(q * 16, 16)] = jnp.bitwise_and(v, jnp.int32(0xFFFF))
            dbuf[pl.ds(q * 16, 16)] = lax.shift_right_logical(v, jnp.int32(16))
            return 0
        lax.fori_loop(0, K // 16, u, 0)

    unpack(0, sa, da)
    pltpu.async_copy(g.at[sa], rows_a, sem_a)

    def pair(j, _):
        i1 = 2 * j + 1
        i2 = 2 * j + 2
        unpack(i1, sb, db)
        pltpu.async_copy(g.at[sb], rows_b, sem_b)
        pltpu.make_async_copy(g.at[sa], rows_a, sem_a).wait()
        pltpu.sync_copy(rows_a, agg_sh.at[da], add=True)
        unpack(i2, sa, da)
        pltpu.async_copy(g.at[sa], rows_a, sem_a)
        pltpu.make_async_copy(g.at[sb], rows_b, sem_b).wait()
        pltpu.sync_copy(rows_b, agg_sh.at[db], add=True)
        return 0
    lax.fori_loop(0, CPT // 2, pair, 0)
    pltpu.make_async_copy(g.at[sa], rows_a, sem_a).wait()
    pltpu.sync_copy(rows_a, agg_sh.at[da], add=True)

    plsc.subcore_barrier()
    pltpu.sync_copy(agg_sh.at[pl.ds(s * STRIPE, STRIPE), :],
                    out.at[c, pl.ds(s * STRIPE, STRIPE), :])



def _stage0_body(deg_ref, x_ref, pk_ref):
    deg = deg_ref[...]
    dis = jax.lax.rsqrt(deg[0:1, :] + deg[1:2, :] + 1.0)
    bits = lax.bitcast_convert_type(dis, jnp.int32) + jnp.int32(16)
    pk_ref[...] = jnp.bitwise_or(jnp.bitwise_and(bits, jnp.int32(-32)),
                                 x_ref[...])


def _stage2_body(h_ref, deg_ref, x_ref, emb_ref, w1_ref, b1_ref, w2_ref,
                 g2_ref):
    deg = deg_ref[...]
    degsum = deg[:, 0:1] + deg[:, 1:2] + 1.0
    dis = jax.lax.rsqrt(degsum)
    onehot = (x_ref[...] == lax.broadcasted_iota(jnp.int32, (N, NUM_RES), 1)
              ).astype(F32)
    m25 = (h_ref[0] + h_ref[1])[:, :NUM_RES] + dis * onehot
    t1 = jnp.dot(emb_ref[...], w1_ref[...], precision=HI,
                 preferred_element_type=F32)
    h1 = jnp.maximum(dis * jnp.dot(m25, t1, precision=HI,
                                   preferred_element_type=F32)
                     + b1_ref[...], 0.0)
    g2_ref[...] = dis * jnp.dot(h1, w2_ref[...], precision=HI,
                                preferred_element_type=F32)


def _stage3_body(agg_ref, g2_ref, deg_ref, b2_ref, lw_ref, lb_ref, batch_ref,
                 out_ref):
    agg = agg_ref[0] + agg_ref[1]
    deg = deg_ref[...]
    dis = jax.lax.rsqrt(deg[:, 0:1] + deg[:, 1:2] + 1.0)
    h2 = jnp.maximum(dis * (agg + g2_ref[...]) + b2_ref[...], 0.0)
    s = jnp.dot(h2, lw_ref[...], precision=HI, preferred_element_type=F32)
    onehot = (batch_ref[...] == lax.broadcasted_iota(jnp.int32, (N, G), 1)
              ).astype(F32)
    sums = lax.dot_general(s, onehot, (((0,), (0,)), ((), ())), precision=HI,
                           preferred_element_type=F32)
    counts = jnp.sum(onehot, axis=0, keepdims=True)
    out_ref[...] = sums / jnp.maximum(counts, 1.0) + lb_ref[0, 0]


def kernel(x, edge_index, batch, emb, W1, b1, W2, b2, lin_W, lin_b):
    ei32 = edge_index.astype(jnp.int32)
    epk = jnp.bitwise_or(ei32[0], jnp.left_shift(ei32[1], 16)
                         ).reshape(32, CPT, K)
    eidx_d = ei32.reshape(2, 32, CPTD, KD)
    x2 = x.astype(jnp.int32).reshape(N, 1)
    batch2 = batch.astype(jnp.int32).reshape(N, 1)

    deg = _sc_degree(eidx_d)
    degT = jnp.transpose(deg[:, :N])
    xpad = jnp.pad(x.astype(jnp.int32), (0, NPAD - N))

    pk1d = pl.pallas_call(
        _stage0_body,
        out_shape=jax.ShapeDtypeStruct((1, NPAD), jnp.int32),
    )(deg, xpad.reshape(1, NPAD)).reshape(NPAD)

    hist = _sc_hist(epk, pk1d)
    hist3 = hist.reshape(2, NPAD, HW)[:, :N, :]

    g2 = pl.pallas_call(
        _stage2_body,
        out_shape=jax.ShapeDtypeStruct((N, D), F32),
    )(hist3, degT, x2, emb, W1, b1.reshape(1, D), W2)

    agg2 = _sc_aggregate(epk, g2)

    out = pl.pallas_call(
        _stage3_body,
        out_shape=jax.ShapeDtypeStruct((1, G), F32),
    )(agg2[:, :N, :], g2, degT, b2.reshape(1, D), lin_W,
      lin_b.reshape(1, 1), batch2)
    return out.reshape(G)

# --- scband reference (transcript-rebuilt; emitter-appended) ---
"""Pipeline reference for scband-gcnresidue-embedding-86199993630959 (READ-ONLY COPY).

The authoritative reference and input builder live on the scoring server;
editing this copy changes nothing except your own understanding.
"""

import jax, jax.numpy as jnp
import numpy as np

NUM_NODES = 10000
NUM_EDGES = 320000
NUM_RESIDUES = 25
EMB_DIM = 128
HIDDEN_DIM = 128
NUM_GRAPHS = 64


def setup_inputs(seed: int = 0):
    key = jax.random.key(seed)
    ks = jax.random.split(key, 10)
    x = jax.random.randint(ks[0], (NUM_NODES,), 0, NUM_RESIDUES)
    edge_index = jax.random.randint(ks[1], (2, NUM_EDGES), 0, NUM_NODES)
    batch = jnp.sort(jax.random.randint(ks[2], (NUM_NODES,), 0, NUM_GRAPHS))
    emb = jax.random.normal(ks[3], (NUM_RESIDUES, EMB_DIM), dtype=jnp.float32)
    W1 = jax.random.normal(ks[4], (EMB_DIM, HIDDEN_DIM), dtype=jnp.float32) * (1.0 / np.sqrt(EMB_DIM))
    b1 = jnp.zeros((HIDDEN_DIM,), dtype=jnp.float32)
    W2 = jax.random.normal(ks[5], (HIDDEN_DIM, HIDDEN_DIM), dtype=jnp.float32) * (1.0 / np.sqrt(HIDDEN_DIM))
    b2 = jnp.zeros((HIDDEN_DIM,), dtype=jnp.float32)
    lin_W = jax.random.normal(ks[6], (HIDDEN_DIM, 1), dtype=jnp.float32) * (1.0 / np.sqrt(HIDDEN_DIM))
    lin_b = jnp.zeros((1,), dtype=jnp.float32)
    return {"x": x, "edge_index": edge_index, "batch": batch, "emb": emb,
            "W1": W1, "b1": b1, "W2": W2, "b2": b2, "lin_W": lin_W, "lin_b": lin_b}


def gcn_conv(h, edge_index, W, b):
    # PyG GCNConv: h' = D^{-1/2} (A + I) D^{-1/2} (h W) + b
    n = h.shape[0]
    h = h @ W
    loop = jnp.arange(n, dtype=edge_index.dtype)
    src = jnp.concatenate([edge_index[0], loop])
    dst = jnp.concatenate([edge_index[1], loop])
    deg = jax.ops.segment_sum(jnp.ones_like(dst, dtype=h.dtype), dst, num_segments=n)
    dis = jnp.where(deg > 0, jax.lax.rsqrt(jnp.maximum(deg, 1e-12)), 0.0)
    norm = dis[src] * dis[dst]
    msgs = h[src] * norm[:, None]
    out = jax.ops.segment_sum(msgs, dst, num_segments=n)
    return out + b


def reference(x, edge_index, batch, emb, W1, b1, W2, b2, lin_W, lin_b):
    h = emb[x]  # embedding lookup (x.squeeze() is identity for 1-D)
    h = jax.nn.relu(gcn_conv(h, edge_index, W1, b1))
    h = jax.nn.relu(gcn_conv(h, edge_index, W2, b2))
    # global_mean_pool over batch segment ids
    sums = jax.ops.segment_sum(h, batch, num_segments=NUM_GRAPHS)
    counts = jax.ops.segment_sum(jnp.ones((h.shape[0],), dtype=h.dtype), batch, num_segments=NUM_GRAPHS)
    pooled = sums / jnp.maximum(counts, 1.0)[:, None]
    out = pooled @ lin_W + lin_b
    return out.squeeze(-1)

if __name__ == "__main__":
    import jax
    _d = setup_inputs()
    print(jax.jit(kernel)(*tuple(_d.values())))

</pallas_src>

<mosaic_0001>
#map = affine_map<(d0, d1) -> (0, 0, 0)>
#map1 = affine_map<(d0, d1) -> (0, 0)>
module attributes {stable_mosaic.version = 14 : i64} {
  func.func @_sc_aggregate(%arg0: i32, %arg1: i32, %arg2: memref<32x125x80xi32, #tpu.memory_space<hbm>>, %arg3: memref<10000x128xf32, #tpu.memory_space<hbm>>, %arg4: memref<2x10240x128xf32, #tpu.memory_space<hbm>>, %arg5: memref<125x80xi32, #tpu.memory_space<vmem>>, %arg6: memref<80xi32, #tpu.memory_space<vmem>>, %arg7: memref<80xi32, #tpu.memory_space<vmem>>, %arg8: memref<80xi32, #tpu.memory_space<vmem>>, %arg9: memref<80xi32, #tpu.memory_space<vmem>>, %arg10: memref<80x128xf32, #tpu.memory_space<vmem>>, %arg11: memref<80x128xf32, #tpu.memory_space<vmem>>, %arg12: memref<10240x128xf32, #tpu.memory_space<vmem_shared>>, %arg13: memref<!tpu.dma_semaphore, #tpu.memory_space<semaphore_mem>>, %arg14: memref<!tpu.dma_semaphore, #tpu.memory_space<semaphore_mem>>) attributes {dimension_semantics = [#tpu.dimension_semantics<core_parallel>, #tpu.dimension_semantics<subcore_parallel>], iteration_bounds = array<i64: 2, 16>, scalar_prefetch = 0 : i64, scratch_operands = 10 : i64, tpu.core_type = #tpu.core_type<sc_vector_subcore>, window_params = [{transform_indices = #map}, {transform_indices = #map1}, {transform_indices = #map}]} {
    %scan3A = arith.constant 0 : i32
    %scan3A_0 = arith.constant 0 : i32
    %scan3A_1 = arith.constant 640 : i32
    %scan3A_2 = arith.addi %scan3A_0, %scan3A_1 : i32
    %scan3A_3 = arith.constant 1 : i32
    %scan3A_4 = scf.for %scan3A_37 = %scan3A_0 to %scan3A_2 step %scan3A_3 iter_args(%scan3A_38 = %scan3A) -> (i32)  : i32 {
      %broadcast_in_dim3A = arith.constant 0.000000e+00 : f32
      %broadcast_in_dim3A_39 = vector.broadcast %broadcast_in_dim3A : f32 to vector<16xf32>
      %jit3A = arith.constant 8 : i32
      %div3A = arith.divsi %scan3A_37, %jit3A : i32
      %sign3A = arith.constant 0 : i32
      %sign3A_40 = arith.cmpi sgt, %scan3A_37, %sign3A : i32
      %sign3A_41 = arith.extui %sign3A_40 : i1 to i32
      %sign3A_42 = arith.constant 0 : i32
      %sign3A_43 = arith.cmpi slt, %scan3A_37, %sign3A_42 : i32
      %sign3A_44 = arith.extui %sign3A_43 : i1 to i32
      %sign3A_45 = arith.subi %sign3A_41, %sign3A_44 : i32
      %sign3A_46 = arith.constant 0 : i32
      %sign3A_47 = arith.cmpi sgt, %jit3A, %sign3A_46 : i32
      %sign3A_48 = arith.extui %sign3A_47 : i1 to i32
      %sign3A_49 = arith.constant 0 : i32
      %sign3A_50 = arith.cmpi slt, %jit3A, %sign3A_49 : i32
      %sign3A_51 = arith.extui %sign3A_50 : i1 to i32
      %sign3A_52 = arith.subi %sign3A_48, %sign3A_51 : i32
      %ne3A = arith.cmpi ne, %sign3A_45, %sign3A_52 : i32
      %rem3A = arith.remsi %scan3A_37, %jit3A : i32
      %ne3A_53 = arith.constant 0 : i32
      %ne3A_54 = arith.cmpi ne, %rem3A, %ne3A_53 : i32
      %and3A = arith.andi %ne3A, %ne3A_54 : i1
      %sub3A = arith.constant 1 : i32
      %sub3A_55 = arith.subi %div3A, %sub3A : i32
      %select_n3A = arith.select %and3A, %sub3A_55, %div3A : i32
      %jit3A_56 = arith.constant 8 : i32
      %eq3A = arith.constant 0 : i32
      %eq3A_57 = arith.cmpi eq, %jit3A_56, %eq3A : i32
      %jit3A_58 = arith.constant 1 : i32
      %select_n3A_59 = arith.select %eq3A_57, %jit3A_58, %jit3A_56 : i32
      %rem3A_60 = arith.remsi %scan3A_37, %select_n3A_59 : i32
      %ne3A_61 = arith.constant 0 : i32
      %ne3A_62 = arith.cmpi ne, %rem3A_60, %ne3A_61 : i32
      %lt3A = arith.constant 0 : i32
      %lt3A_63 = arith.cmpi slt, %rem3A_60, %lt3A : i32
      %lt3A_64 = arith.constant 0 : i32
      %lt3A_65 = arith.cmpi slt, %select_n3A_59, %lt3A_64 : i32
      %ne3A_66 = arith.xori %lt3A_63, %lt3A_65 : i1
      %and3A_67 = arith.andi %ne3A_66, %ne3A_62 : i1
      %add3A_68 = arith.addi %rem3A_60, %select_n3A_59 : i32
      %select_n3A_69 = arith.select %and3A_67, %add3A_68, %rem3A_60 : i32
      %mul3A_70 = arith.constant 16 : i32
      %mul3A_71 = arith.muli %select_n3A_69, %mul3A_70 : i32
      %swap3A = arith.index_cast %select_n3A : i32 to index
      %swap3A_72 = arith.index_cast %mul3A_71 : i32 to index
      %swap3A_73 = tpu.vector_load %arg10[%swap3A, %swap3A_72] {strides = array<i32>} : memref<80x128xf32, #tpu.memory_space<vmem>>, vector<1x16xf32>,
      %swap3A_74 = vector.shape_cast %swap3A_73 : vector<1x16xf32> to vector<16xf32>
      %swap3A_75 = vector.shape_cast %broadcast_in_dim3A_39 : vector<16xf32> to vector<1x16xf32>
      tpu.vector_store %arg10[%swap3A, %swap3A_72], %swap3A_75 {strides = array<i32>} : memref<80x128xf32, #tpu.memory_space<vmem>>, vector<1x16xf32>,
      %scan3A_76 = arith.constant 0 : i32
      scf.yield %scan3A_76 : i32
    }
    %scan3A_5 = arith.constant 640 : i32
    %scan3A_6 = arith.constant 0 : i32
    %scan3A_7 = arith.constant 0 : i32
    %scan3A_8 = arith.constant 8 : i32
    %scan3A_9 = arith.addi %scan3A_7, %scan3A_8 : i32
    %scan3A_10 = arith.constant 1 : i32
    %scan3A_11 = scf.for %scan3A_37 = %scan3A_7 to %scan3A_9 step %scan3A_10 iter_args(%scan3A_38 = %scan3A_6) -> (i32)  : i32 {
      %mul3A_39 = arith.constant 640 : i32
      %mul3A_40 = arith.muli %arg1, %mul3A_39 : i32
      %mul3A_41 = arith.constant 80 : i32
      %mul3A_42 = arith.muli %scan3A_37, %mul3A_41 : i32
      %add3A_43 = arith.addi %mul3A_40, %mul3A_42 : i32
      "tpu.region"() ({
        %run_scoped3A = tpu.sem_alloc : memref<!tpu.dma_semaphore, #tpu.memory_space<semaphore_mem>>
        %dma_start3A_45 = arith.constant 0 : i32
        %dma_start3A_46 = tpu.memref_slice %arg12[%add3A_43, %dma_start3A_45] : memref<10240x128xf32, #tpu.memory_space<vmem_shared>> -> memref<80x128xf32, #tpu.memory_space<vmem_shared>>
        %dma_start3A_47 = arith.constant 0 : i32
        %dma_start3A_48 = tpu.memref_slice %arg12[%add3A_43, %dma_start3A_47] : memref<10240x128xf32, #tpu.memory_space<vmem_shared>> -> memref<80x128xf32, #tpu.memory_space<vmem_shared>>
        tpu.enqueue_dma source(%arg10 : memref<80x128xf32, #tpu.memory_space<vmem>>) target(%dma_start3A_48 : memref<80x128xf32, #tpu.memory_space<vmem_shared>>) target_semaphore(%run_scoped3A : memref<!tpu.dma_semaphore, #tpu.memory_space<semaphore_mem>>)
        %dma_wait3A_49 = arith.constant 0 : i32
        %dma_wait3A_50 = tpu.memref_slice %arg12[%add3A_43, %dma_wait3A_49] : memref<10240x128xf32, #tpu.memory_space<vmem_shared>> -> memref<80x128xf32, #tpu.memory_space<vmem_shared>>
        %dma_wait3A_51 = arith.constant 0 : i32
        %dma_wait3A_52 = tpu.memref_slice %arg12[%add3A_43, %dma_wait3A_51] : memref<10240x128xf32, #tpu.memory_space<vmem_shared>> -> memref<80x128xf32, #tpu.memory_space<vmem_shared>>
        tpu.wait_dma2 semaphore(%run_scoped3A : memref<!tpu.dma_semaphore, #tpu.memory_space<semaphore_mem>>) src(%arg10 : memref<80x128xf32, #tpu.memory_space<vmem>>) dst(%dma_wait3A_52 : memref<80x128xf32, #tpu.memory_space<vmem_shared>>)
        tpu.yield
      }) : () -> ()
      %scan3A_44 = arith.constant 0 : i32
      scf.yield %scan3A_44 : i32
    }
    %scan3A_12 = arith.constant 8 : i32
    %barrier3A = arith.constant 0 : index
    tpu.barrier barrier_id(%barrier3A)
    %mul3A = arith.constant 16 : i32
    %mul3A_13 = arith.muli %arg0, %mul3A : i32
    %add3A = arith.addi %mul3A_13, %arg1 : i32
    "tpu.region"() ({
      %run_scoped3A = tpu.sem_alloc : memref<!tpu.dma_semaphore, #tpu.memory_space<semaphore_mem>>
      %dma_start3A_37 = arith.constant 0 : i32
      %dma_start3A_38 = arith.constant 0 : i32
      %dma_start3A_39 = tpu.memref_slice %arg2[%add3A, %dma_start3A_37, %dma_start3A_38] : memref<32x125x80xi32, #tpu.memory_space<hbm>> -> memref<1x125x80xi32, #tpu.memory_space<hbm>>
      %dma_start3A_40 = tpu.memref_squeeze %dma_start3A_39 : memref<1x125x80xi32, #tpu.memory_space<hbm>> -> memref<125x80xi32, #tpu.memory_space<hbm>>
      %dma_start3A_41 = arith.constant 0 : i32
      %dma_start3A_42 = arith.constant 0 : i32
      %dma_start3A_43 = tpu.memref_slice %arg2[%add3A, %dma_start3A_41, %dma_start3A_42] : memref<32x125x80xi32, #tpu.memory_space<hbm>> -> memref<1x125x80xi32, #tpu.memory_space<hbm>>
      %dma_start3A_44 = tpu.memref_squeeze %dma_start3A_43 : memref<1x125x80xi32, #tpu.memory_space<hbm>> -> memref<125x80xi32, #tpu.memory_space<hbm>>
      tpu.enqueue_dma source(%dma_start3A_44 : memref<125x80xi32, #tpu.memory_space<hbm>>) target(%arg5 : memref<125x80xi32, #tpu.memory_space<vmem>>) target_semaphore(%run_scoped3A : memref<!tpu.dma_semaphore, #tpu.memory_space<semaphore_mem>>)
      %dma_wait3A_45 = arith.constant 0 : i32
      %dma_wait3A_46 = arith.constant 0 : i32
      %dma_wait3A_47 = tpu.memref_slice %arg2[%add3A, %dma_wait3A_45, %dma_wait3A_46] : memref<32x125x80xi32, #tpu.memory_space<hbm>> -> memref<1x125x80xi32, #tpu.memory_space<hbm>>
      %dma_wait3A_48 = tpu.memref_squeeze %dma_wait3A_47 : memref<1x125x80xi32, #tpu.memory_space<hbm>> -> memref<125x80xi32, #tpu.memory_space<hbm>>
      %dma_wait3A_49 = arith.constant 0 : i32
      %dma_wait3A_50 = arith.constant 0 : i32
      %dma_wait3A_51 = tpu.memref_slice %arg2[%add3A, %dma_wait3A_49, %dma_wait3A_50] : memref<32x125x80xi32, #tpu.memory_space<hbm>> -> memref<1x125x80xi32, #tpu.memory_space<hbm>>
      %dma_wait3A_52 = tpu.memref_squeeze %dma_wait3A_51 : memref<1x125x80xi32, #tpu.memory_space<hbm>> -> memref<125x80xi32, #tpu.memory_space<hbm>>
      tpu.wait_dma2 semaphore(%run_scoped3A : memref<!tpu.dma_semaphore, #tpu.memory_space<semaphore_mem>>) src(%dma_wait3A_52 : memref<125x80xi32, #tpu.memory_space<hbm>>) dst(%arg5 : memref<125x80xi32, #tpu.memory_space<vmem>>)
      tpu.yield
    }) : () -> ()
    %scan3A_14 = arith.constant 0 : i32
    %scan3A_15 = arith.constant 0 : i32
    %scan3A_16 = arith.constant 5 : i32
    %scan3A_17 = arith.addi %scan3A_15, %scan3A_16 : i32
    %scan3A_18 = arith.constant 1 : i32
    %scan3A_19 = scf.for %scan3A_37 = %scan3A_15 to %scan3A_17 step %scan3A_18 iter_args(%scan3A_38 = %scan3A_14) -> (i32)  : i32 {
      %mul3A_39 = arith.constant 16 : i32
      %mul3A_40 = arith.muli %scan3A_37, %mul3A_39 : i32
      %get3A = arith.constant 0 : i32
      %get3A_41 = arith.index_cast %get3A : i32 to index
      %get3A_42 = arith.index_cast %mul3A_40 : i32 to index
      %get3A_43 = tpu.vector_load %arg5[%get3A_41, %get3A_42] {strides = array<i32>} : memref<125x80xi32, #tpu.memory_space<vmem>>, vector<1x16xi32>,
      %get3A_44 = vector.shape_cast %get3A_43 : vector<1x16xi32> to vector<16xi32>
      %and3A = arith.constant 65535 : i32
      %and3A_45 = vector.broadcast %and3A : i32 to vector<16xi32>
      %and3A_46 = arith.andi %get3A_44, %and3A_45 : vector<16xi32>
      %mul3A_47 = arith.constant 16 : i32
      %mul3A_48 = arith.muli %scan3A_37, %mul3A_47 : i32
      %swap3A = arith.index_cast %mul3A_48 : i32 to index
      %swap3A_49 = tpu.vector_load %arg6[%swap3A] {strides = array<i32>} : memref<80xi32, #tpu.memory_space<vmem>>, vector<16xi32>,
      %swap3A_50 = vector.shape_cast %swap3A_49 : vector<16xi32> to vector<16xi32>
      %swap3A_51 = vector.shape_cast %and3A_46 : vector<16xi32> to vector<16xi32>
      tpu.vector_store %arg6[%swap3A], %swap3A_51 {strides = array<i32>} : memref<80xi32, #tpu.memory_space<vmem>>, vector<16xi32>,
      %shift_right_logical3A = arith.constant 16 : i32
      %shift_right_logical3A_52 = vector.broadcast %shift_right_logical3A : i32 to vector<16xi32>
      %shift_right_logical3A_53 = arith.shrui %get3A_44, %shift_right_logical3A_52 : vector<16xi32>
      %mul3A_54 = arith.constant 16 : i32
      %mul3A_55 = arith.muli %scan3A_37, %mul3A_54 : i32
      %swap3A_56 = arith.index_cast %mul3A_55 : i32 to index
      %swap3A_57 = tpu.vector_load %arg7[%swap3A_56] {strides = array<i32>} : memref<80xi32, #tpu.memory_space<vmem>>, vector<16xi32>,
      %swap3A_58 = vector.shape_cast %swap3A_57 : vector<16xi32> to vector<16xi32>
      %swap3A_59 = vector.shape_cast %shift_right_logical3A_53 : vector<16xi32> to vector<16xi32>
      tpu.vector_store %arg7[%swap3A_56], %swap3A_59 {strides = array<i32>} : memref<80xi32, #tpu.memory_space<vmem>>, vector<16xi32>,
      %scan3A_60 = arith.constant 0 : i32
      scf.yield %scan3A_60 : i32
    }
    %scan3A_20 = arith.constant 5 : i32
    %dma_start3A = arith.constant 0 : i32
    %dma_start3A_21 = arith.constant 0 : i32
    %dma_start3A_22 = tpu.memref_slice %arg3[%dma_start3A, %dma_start3A_21] : memref<10000x128xf32, #tpu.memory_space<hbm>> -> memref<10000x128xf32, #tpu.memory_space<hbm>>
    tpu.enqueue_indirect_dma source(%dma_start3A_22 : memref<10000x128xf32, #tpu.memory_space<hbm>>) target(%arg10 : memref<80x128xf32, #tpu.memory_space<vmem>>) offsets(%arg6 : memref<80xi32, #tpu.memory_space<vmem>>) semaphore(%arg13 : memref<!tpu.dma_semaphore, #tpu.memory_space<semaphore_mem>>)
    %scan3A_23 = arith.constant 0 : i32
    %scan3A_24 = arith.constant 0 : i32
    %scan3A_25 = arith.constant 62 : i32
    %scan3A_26 = arith.addi %scan3A_24, %scan3A_25 : i32
    %scan3A_27 = arith.constant 1 : i32
    %scan3A_28 = scf.for %scan3A_37 = %scan3A_24 to %scan3A_26 step %scan3A_27 iter_args(%scan3A_38 = %scan3A_23) -> (i32)  : i32 {
      %mul3A_39 = arith.constant 2 : i32
      %mul3A_40 = arith.muli %mul3A_39, %scan3A_37 : i32
      %add3A_41 = arith.constant 1 : i32
      %add3A_42 = arith.addi %mul3A_40, %add3A_41 : i32
      %mul3A_43 = arith.constant 2 : i32
      %mul3A_44 = arith.muli %mul3A_43, %scan3A_37 : i32
      %add3A_45 = arith.constant 2 : i32
      %add3A_46 = arith.addi %mul3A_44, %add3A_45 : i32
      %scan3A_47 = arith.constant 0 : i32
      %scan3A_48 = arith.constant 0 : i32
      %scan3A_49 = arith.constant 5 : i32
      %scan3A_50 = arith.addi %scan3A_48, %scan3A_49 : i32
      %scan3A_51 = arith.constant 1 : i32
      %scan3A_52 = scf.for %scan3A_74 = %scan3A_48 to %scan3A_50 step %scan3A_51 iter_args(%scan3A_75 = %scan3A_47) -> (i32)  : i32 {
        %mul3A_76 = arith.constant 16 : i32
        %mul3A_77 = arith.muli %scan3A_74, %mul3A_76 : i32
        %get3A = arith.index_cast %add3A_42 : i32 to index
        %get3A_78 = arith.index_cast %mul3A_77 : i32 to index
        %get3A_79 = tpu.vector_load %arg5[%get3A, %get3A_78] {strides = array<i32>} : memref<125x80xi32, #tpu.memory_space<vmem>>, vector<1x16xi32>,
        %get3A_80 = vector.shape_cast %get3A_79 : vector<1x16xi32> to vector<16xi32>
        %and3A = arith.constant 65535 : i32
        %and3A_81 = vector.broadcast %and3A : i32 to vector<16xi32>
        %and3A_82 = arith.andi %get3A_80, %and3A_81 : vector<16xi32>
        %mul3A_83 = arith.constant 16 : i32
        %mul3A_84 = arith.muli %scan3A_74, %mul3A_83 : i32
        %swap3A = arith.index_cast %mul3A_84 : i32 to index
        %swap3A_85 = tpu.vector_load %arg8[%swap3A] {strides = array<i32>} : memref<80xi32, #tpu.memory_space<vmem>>, vector<16xi32>,
        %swap3A_86 = vector.shape_cast %swap3A_85 : vector<16xi32> to vector<16xi32>
        %swap3A_87 = vector.shape_cast %and3A_82 : vector<16xi32> to vector<16xi32>
        tpu.vector_store %arg8[%swap3A], %swap3A_87 {strides = array<i32>} : memref<80xi32, #tpu.memory_space<vmem>>, vector<16xi32>,
        %shift_right_logical3A = arith.constant 16 : i32
        %shift_right_logical3A_88 = vector.broadcast %shift_right_logical3A : i32 to vector<16xi32>
        %shift_right_logical3A_89 = arith.shrui %get3A_80, %shift_right_logical3A_88 : vector<16xi32>
        %mul3A_90 = arith.constant 16 : i32
        %mul3A_91 = arith.muli %scan3A_74, %mul3A_90 : i32
        %swap3A_92 = arith.index_cast %mul3A_91 : i32 to index
        %swap3A_93 = tpu.vector_load %arg9[%swap3A_92] {strides = array<i32>} : memref<80xi32, #tpu.memory_space<vmem>>, vector<16xi32>,
        %swap3A_94 = vector.shape_cast %swap3A_93 : vector<16xi32> to vector<16xi32>
        %swap3A_95 = vector.shape_cast %shift_right_logical3A_89 : vector<16xi32> to vector<16xi32>
        tpu.vector_store %arg9[%swap3A_92], %swap3A_95 {strides = array<i32>} : memref<80xi32, #tpu.memory_space<vmem>>, vector<16xi32>,
        %scan3A_96 = arith.constant 0 : i32
        scf.yield %scan3A_96 : i32
      }
      %scan3A_53 = arith.constant 5 : i32
      %dma_start3A_54 = arith.constant 0 : i32
      %dma_start3A_55 = arith.constant 0 : i32
      %dma_start3A_56 = tpu.memref_slice %arg3[%dma_start3A_54, %dma_start3A_55] : memref<10000x128xf32, #tpu.memory_space<hbm>> -> memref<10000x128xf32, #tpu.memory_space<hbm>>
      tpu.enqueue_indirect_dma source(%dma_start3A_56 : memref<10000x128xf32, #tpu.memory_space<hbm>>) target(%arg11 : memref<80x128xf32, #tpu.memory_space<vmem>>) offsets(%arg8 : memref<80xi32, #tpu.memory_space<vmem>>) semaphore(%arg14 : memref<!tpu.dma_semaphore, #tpu.memory_space<semaphore_mem>>)
      %dma_wait3A_57 = arith.constant 0 : i32
      %dma_wait3A_58 = arith.constant 0 : i32
      %dma_wait3A_59 = tpu.memref_slice %arg3[%dma_wait3A_57, %dma_wait3A_58] : memref<10000x128xf32, #tpu.memory_space<hbm>> -> memref<10000x128xf32, #tpu.memory_space<hbm>>
      tpu.wait_indirect_dma semaphore(%arg13 : memref<!tpu.dma_semaphore, #tpu.memory_space<semaphore_mem>>) src(%dma_wait3A_59 : memref<10000x128xf32, #tpu.memory_space<hbm>>) dst(%arg10 : memref<80x128xf32, #tpu.memory_space<vmem>>)
      "tpu.region"() ({
        %run_scoped3A = tpu.sem_alloc : memref<!tpu.dma_semaphore, #tpu.memory_space<semaphore_mem>>
        %dma_start3A_74 = arith.constant 0 : i32
        %dma_start3A_75 = arith.constant 0 : i32
        %dma_start3A_76 = tpu.memref_slice %arg12[%dma_start3A_74, %dma_start3A_75] : memref<10240x128xf32, #tpu.memory_space<vmem_shared>> -> memref<10240x128xf32, #tpu.memory_space<vmem_shared>>
        tpu.enqueue_indirect_dma source(%arg10 : memref<80x128xf32, #tpu.memory_space<vmem>>) target(%dma_start3A_76 : memref<10240x128xf32, #tpu.memory_space<vmem_shared>>) offsets(%arg7 : memref<80xi32, #tpu.memory_space<vmem>>) semaphore(%run_scoped3A : memref<!tpu.dma_semaphore, #tpu.memory_space<semaphore_mem>>) {add = true}
        %dma_wait3A_77 = arith.constant 0 : i32
        %dma_wait3A_78 = arith.constant 0 : i32
        %dma_wait3A_79 = tpu.memref_slice %arg12[%dma_wait3A_77, %dma_wait3A_78] : memref<10240x128xf32, #tpu.memory_space<vmem_shared>> -> memref<10240x128xf32, #tpu.memory_space<vmem_shared>>
        tpu.wait_indirect_dma semaphore(%run_scoped3A : memref<!tpu.dma_semaphore, #tpu.memory_space<semaphore_mem>>) src(%arg10 : memref<80x128xf32, #tpu.memory_space<vmem>>) dst(%dma_wait3A_79 : memref<10240x128xf32, #tpu.memory_space<vmem_shared>>)
        tpu.yield
      }) : () -> ()
      %scan3A_60 = arith.constant 0 : i32
      %scan3A_61 = arith.constant 0 : i32
      %scan3A_62 = arith.constant 5 : i32
      %scan3A_63 = arith.addi %scan3A_61, %scan3A_62 : i32
      %scan3A_64 = arith.constant 1 : i32
      %scan3A_65 = scf.for %scan3A_74 = %scan3A_61 to %scan3A_63 step %scan3A_64 iter_args(%scan3A_75 = %scan3A_60) -> (i32)  : i32 {
        %mul3A_76 = arith.constant 16 : i32
        %mul3A_77 = arith.muli %scan3A_74, %mul3A_76 : i32
        %get3A = arith.index_cast %add3A_46 : i32 to index
        %get3A_78 = arith.index_cast %mul3A_77 : i32 to index
        %get3A_79 = tpu.vector_load %arg5[%get3A, %get3A_78] {strides = array<i32>} : memref<125x80xi32, #tpu.memory_space<vmem>>, vector<1x16xi32>,
        %get3A_80 = vector.shape_cast %get3A_79 : vector<1x16xi32> to vector<16xi32>
        %and3A = arith.constant 65535 : i32
        %and3A_81 = vector.broadcast %and3A : i32 to vector<16xi32>
        %and3A_82 = arith.andi %get3A_80, %and3A_81 : vector<16xi32>
        %mul3A_83 = arith.constant 16 : i32
        %mul3A_84 = arith.muli %scan3A_74, %mul3A_83 : i32
        %swap3A = arith.index_cast %mul3A_84 : i32 to index
        %swap3A_85 = tpu.vector_load %arg6[%swap3A] {strides = array<i32>} : memref<80xi32, #tpu.memory_space<vmem>>, vector<16xi32>,
        %swap3A_86 = vector.shape_cast %swap3A_85 : vector<16xi32> to vector<16xi32>
        %swap3A_87 = vector.shape_cast %and3A_82 : vector<16xi32> to vector<16xi32>
        tpu.vector_store %arg6[%swap3A], %swap3A_87 {strides = array<i32>} : memref<80xi32, #tpu.memory_space<vmem>>, vector<16xi32>,
        %shift_right_logical3A = arith.constant 16 : i32
        %shift_right_logical3A_88 = vector.broadcast %shift_right_logical3A : i32 to vector<16xi32>
        %shift_right_logical3A_89 = arith.shrui %get3A_80, %shift_right_logical3A_88 : vector<16xi32>
        %mul3A_90 = arith.constant 16 : i32
        %mul3A_91 = arith.muli %scan3A_74, %mul3A_90 : i32
        %swap3A_92 = arith.index_cast %mul3A_91 : i32 to index
        %swap3A_93 = tpu.vector_load %arg7[%swap3A_92] {strides = array<i32>} : memref<80xi32, #tpu.memory_space<vmem>>, vector<16xi32>,
        %swap3A_94 = vector.shape_cast %swap3A_93 : vector<16xi32> to vector<16xi32>
        %swap3A_95 = vector.shape_cast %shift_right_logical3A_89 : vector<16xi32> to vector<16xi32>
        tpu.vector_store %arg7[%swap3A_92], %swap3A_95 {strides = array<i32>} : memref<80xi32, #tpu.memory_space<vmem>>, vector<16xi32>,
        %scan3A_96 = arith.constant 0 : i32
        scf.yield %scan3A_96 : i32
      }
      %scan3A_66 = arith.constant 5 : i32
      %dma_start3A_67 = arith.constant 0 : i32
      %dma_start3A_68 = arith.constant 0 : i32
      %dma_start3A_69 = tpu.memref_slice %arg3[%dma_start3A_67, %dma_start3A_68] : memref<10000x128xf32, #tpu.memory_space<hbm>> -> memref<10000x128xf32, #tpu.memory_space<hbm>>
      tpu.enqueue_indirect_dma source(%dma_start3A_69 : memref<10000x128xf32, #tpu.memory_space<hbm>>) target(%arg10 : memref<80x128xf32, #tpu.memory_space<vmem>>) offsets(%arg6 : memref<80xi32, #tpu.memory_space<vmem>>) semaphore(%arg13 : memref<!tpu.dma_semaphore, #tpu.memory_space<semaphore_mem>>)
      %dma_wait3A_70 = arith.constant 0 : i32
      %dma_wait3A_71 = arith.constant 0 : i32
      %dma_wait3A_72 = tpu.memref_slice %arg3[%dma_wait3A_70, %dma_wait3A_71] : memref<10000x128xf32, #tpu.memory_space<hbm>> -> memref<10000x128xf32, #tpu.memory_space<hbm>>
      tpu.wait_indirect_dma semaphore(%arg14 : memref<!tpu.dma_semaphore, #tpu.memory_space<semaphore_mem>>) src(%dma_wait3A_72 : memref<10000x128xf32, #tpu.memory_space<hbm>>) dst(%arg11 : memref<80x128xf32, #tpu.memory_space<vmem>>)
      "tpu.region"() ({
        %run_scoped3A = tpu.sem_alloc : memref<!tpu.dma_semaphore, #tpu.memory_space<semaphore_mem>>
        %dma_start3A_74 = arith.constant 0 : i32
        %dma_start3A_75 = arith.constant 0 : i32
        %dma_start3A_76 = tpu.memref_slice %arg12[%dma_start3A_74, %dma_start3A_75] : memref<10240x128xf32, #tpu.memory_space<vmem_shared>> -> memref<10240x128xf32, #tpu.memory_space<vmem_shared>>
        tpu.enqueue_indirect_dma source(%arg11 : memref<80x128xf32, #tpu.memory_space<vmem>>) target(%dma_start3A_76 : memref<10240x128xf32, #tpu.memory_space<vmem_shared>>) offsets(%arg9 : memref<80xi32, #tpu.memory_space<vmem>>) semaphore(%run_scoped3A : memref<!tpu.dma_semaphore, #tpu.memory_space<semaphore_mem>>) {add = true}
        %dma_wait3A_77 = arith.constant 0 : i32
        %dma_wait3A_78 = arith.constant 0 : i32
        %dma_wait3A_79 = tpu.memref_slice %arg12[%dma_wait3A_77, %dma_wait3A_78] : memref<10240x128xf32, #tpu.memory_space<vmem_shared>> -> memref<10240x128xf32, #tpu.memory_space<vmem_shared>>
        tpu.wait_indirect_dma semaphore(%run_scoped3A : memref<!tpu.dma_semaphore, #tpu.memory_space<semaphore_mem>>) src(%arg11 : memref<80x128xf32, #tpu.memory_space<vmem>>) dst(%dma_wait3A_79 : memref<10240x128xf32, #tpu.memory_space<vmem_shared>>)
        tpu.yield
      }) : () -> ()
      %scan3A_73 = arith.constant 0 : i32
      scf.yield %scan3A_73 : i32
    }
    %scan3A_29 = arith.constant 62 : i32
    %dma_wait3A = arith.constant 0 : i32
    %dma_wait3A_30 = arith.constant 0 : i32
    %dma_wait3A_31 = tpu.memref_slice %arg3[%dma_wait3A, %dma_wait3A_30] : memref<10000x128xf32, #tpu.memory_space<hbm>> -> memref<10000x128xf32, #tpu.memory_space<hbm>>
    tpu.wait_indirect_dma semaphore(%arg13 : memref<!tpu.dma_semaphore, #tpu.memory_space<semaphore_mem>>) src(%dma_wait3A_31 : memref<10000x128xf32, #tpu.memory_space<hbm>>) dst(%arg10 : memref<80x128xf32, #tpu.memory_space<vmem>>)
    "tpu.region"() ({
      %run_scoped3A = tpu.sem_alloc : memref<!tpu.dma_semaphore, #tpu.memory_space<semaphore_mem>>
      %dma_start3A_37 = arith.constant 0 : i32
      %dma_start3A_38 = arith.constant 0 : i32
      %dma_start3A_39 = tpu.memref_slice %arg12[%dma_start3A_37, %dma_start3A_38] : memref<10240x128xf32, #tpu.memory_space<vmem_shared>> -> memref<10240x128xf32, #tpu.memory_space<vmem_shared>>
      tpu.enqueue_indirect_dma source(%arg10 : memref<80x128xf32, #tpu.memory_space<vmem>>) target(%dma_start3A_39 : memref<10240x128xf32, #tpu.memory_space<vmem_shared>>) offsets(%arg7 : memref<80xi32, #tpu.memory_space<vmem>>) semaphore(%run_scoped3A : memref<!tpu.dma_semaphore, #tpu.memory_space<semaphore_mem>>) {add = true}
      %dma_wait3A_40 = arith.constant 0 : i32
      %dma_wait3A_41 = arith.constant 0 : i32
      %dma_wait3A_42 = tpu.memref_slice %arg12[%dma_wait3A_40, %dma_wait3A_41] : memref<10240x128xf32, #tpu.memory_space<vmem_shared>> -> memref<10240x128xf32, #tpu.memory_space<vmem_shared>>
      tpu.wait_indirect_dma semaphore(%run_scoped3A : memref<!tpu.dma_semaphore, #tpu.memory_space<semaphore_mem>>) src(%arg10 : memref<80x128xf32, #tpu.memory_space<vmem>>) dst(%dma_wait3A_42 : memref<10240x128xf32, #tpu.memory_space<vmem_shared>>)
      tpu.yield
    }) : () -> ()
    %barrier3A_32 = arith.constant 0 : index
    tpu.barrier barrier_id(%barrier3A_32)
    %mul3A_33 = arith.constant 640 : i32
    %mul3A_34 = arith.muli %arg1, %mul3A_33 : i32
    %mul3A_35 = arith.constant 640 : i32
    %mul3A_36 = arith.muli %arg1, %mul3A_35 : i32
    "tpu.region"() ({
      %run_scoped3A = tpu.sem_alloc : memref<!tpu.dma_semaphore, #tpu.memory_space<semaphore_mem>>
      %dma_start3A_37 = arith.constant 0 : i32
      %dma_start3A_38 = tpu.memref_slice %arg4[%arg0, %mul3A_36, %dma_start3A_37] : memref<2x10240x128xf32, #tpu.memory_space<hbm>> -> memref<1x640x128xf32, #tpu.memory_space<hbm>>
      %dma_start3A_39 = tpu.memref_squeeze %dma_start3A_38 : memref<1x640x128xf32, #tpu.memory_space<hbm>> -> memref<640x128xf32, #tpu.memory_space<hbm>>
      %dma_start3A_40 = arith.constant 0 : i32
      %dma_start3A_41 = tpu.memref_slice %arg12[%mul3A_34, %dma_start3A_40] : memref<10240x128xf32, #tpu.memory_space<vmem_shared>> -> memref<640x128xf32, #tpu.memory_space<vmem_shared>>
      tpu.enqueue_dma source(%dma_start3A_41 : memref<640x128xf32, #tpu.memory_space<vmem_shared>>) target(%dma_start3A_39 : memref<640x128xf32, #tpu.memory_space<hbm>>) target_semaphore(%run_scoped3A : memref<!tpu.dma_semaphore, #tpu.memory_space<semaphore_mem>>)
      %dma_wait3A_42 = arith.constant 0 : i32
      %dma_wait3A_43 = tpu.memref_slice %arg4[%arg0, %mul3A_36, %dma_wait3A_42] : memref<2x10240x128xf32, #tpu.memory_space<hbm>> -> memref<1x640x128xf32, #tpu.memory_space<hbm>>
      %dma_wait3A_44 = tpu.memref_squeeze %dma_wait3A_43 : memref<1x640x128xf32, #tpu.memory_space<hbm>> -> memref<640x128xf32, #tpu.memory_space<hbm>>
      %dma_wait3A_45 = arith.constant 0 : i32
      %dma_wait3A_46 = tpu.memref_slice %arg12[%mul3A_34, %dma_wait3A_45] : memref<10240x128xf32, #tpu.memory_space<vmem_shared>> -> memref<640x128xf32, #tpu.memory_space<vmem_shared>>
      tpu.wait_dma2 semaphore(%run_scoped3A : memref<!tpu.dma_semaphore, #tpu.memory_space<semaphore_mem>>) src(%dma_wait3A_46 : memref<640x128xf32, #tpu.memory_space<vmem_shared>>) dst(%dma_wait3A_44 : memref<640x128xf32, #tpu.memory_space<hbm>>)
      tpu.yield
    }) : () -> ()
    return
  }
}

#map = affine_map<(d0, d1) -> (0, 0, 0, 0)>
#map1 = affine_map<(d0, d1) -> (0, 0)>
module attributes {stable_mosaic.version = 14 : i64} {
  func.func @_sc_degree(%arg0: i32, %arg1: i32, %arg2: memref<2x32x125x80xi32, #tpu.memory_space<hbm>>, %arg3: memref<2x10240xf32, #tpu.memory_space<hbm>>, %arg4: memref<125x80xi32, #tpu.memory_space<vmem>>, %arg5: memref<80xf32, #tpu.memory_space<vmem>>, %arg6: memref<640xf32, #tpu.memory_space<vmem>>, %arg7: memref<10240xf32, #tpu.memory_space<vmem_shared>>) attributes {dimension_semantics = [#tpu.dimension_semantics<core_parallel>, #tpu.dimension_semantics<subcore_parallel>], iteration_bounds = array<i64: 2, 16>, scalar_prefetch = 0 : i64, scratch_operands = 4 : i64, tpu.core_type = #tpu.core_type<sc_vector_subcore>, window_params = [{transform_indices = #map}, {transform_indices = #map1}]} {
    %scan3A = arith.constant 0 : i32
    %scan3A_0 = arith.constant 0 : i32
    %scan3A_1 = arith.constant 5 : i32
    %scan3A_2 = arith.addi %scan3A_0, %scan3A_1 : i32
    %scan3A_3 = arith.constant 1 : i32
    %scan3A_4 = scf.for %scan3A_28 = %scan3A_0 to %scan3A_2 step %scan3A_3 iter_args(%scan3A_29 = %scan3A) -> (i32)  : i32 {
      %broadcast_in_dim3A = arith.constant 1.000000e+00 : f32
      %broadcast_in_dim3A_30 = vector.broadcast %broadcast_in_dim3A : f32 to vector<16xf32>
      %mul3A_31 = arith.constant 16 : i32
      %mul3A_32 = arith.muli %scan3A_28, %mul3A_31 : i32
      %swap3A = arith.index_cast %mul3A_32 : i32 to index
      %swap3A_33 = tpu.vector_load %arg5[%swap3A] {strides = array<i32>} : memref<80xf32, #tpu.memory_space<vmem>>, vector<16xf32>,
      %swap3A_34 = vector.shape_cast %swap3A_33 : vector<16xf32> to vector<16xf32>
      %swap3A_35 = vector.shape_cast %broadcast_in_dim3A_30 : vector<16xf32> to vector<16xf32>
      tpu.vector_store %arg5[%swap3A], %swap3A_35 {strides = array<i32>} : memref<80xf32, #tpu.memory_space<vmem>>, vector<16xf32>,
      %scan3A_36 = arith.constant 0 : i32
      scf.yield %scan3A_36 : i32
    }
    %scan3A_5 = arith.constant 5 : i32
    %scan3A_6 = arith.constant 0 : i32
    %scan3A_7 = arith.constant 0 : i32
    %scan3A_8 = arith.constant 40 : i32
    %scan3A_9 = arith.addi %scan3A_7, %scan3A_8 : i32
    %scan3A_10 = arith.constant 1 : i32
    %scan3A_11 = scf.for %scan3A_28 = %scan3A_7 to %scan3A_9 step %scan3A_10 iter_args(%scan3A_29 = %scan3A_6) -> (i32)  : i32 {
      %broadcast_in_dim3A = arith.constant 0.000000e+00 : f32
      %broadcast_in_dim3A_30 = vector.broadcast %broadcast_in_dim3A : f32 to vector<16xf32>
      %mul3A_31 = arith.constant 16 : i32
      %mul3A_32 = arith.muli %scan3A_28, %mul3A_31 : i32
      %swap3A = arith.index_cast %mul3A_32 : i32 to index
      %swap3A_33 = tpu.vector_load %arg6[%swap3A] {strides = array<i32>} : memref<640xf32, #tpu.memory_space<vmem>>, vector<16xf32>,
      %swap3A_34 = vector.shape_cast %swap3A_33 : vector<16xf32> to vector<16xf32>
      %swap3A_35 = vector.shape_cast %broadcast_in_dim3A_30 : vector<16xf32> to vector<16xf32>
      tpu.vector_store %arg6[%swap3A], %swap3A_35 {strides = array<i32>} : memref<640xf32, #tpu.memory_space<vmem>>, vector<16xf32>,
      %scan3A_36 = arith.constant 0 : i32
      scf.yield %scan3A_36 : i32
    }
    %scan3A_12 = arith.constant 40 : i32
    %mul3A = arith.constant 640 : i32
    %mul3A_13 = arith.muli %arg1, %mul3A : i32
    "tpu.region"() ({
      %run_scoped3A_28 = tpu.sem_alloc : memref<!tpu.dma_semaphore, #tpu.memory_space<semaphore_mem>>
      %dma_start3A = tpu.memref_slice %arg7[%mul3A_13] : memref<10240xf32, #tpu.memory_space<vmem_shared>> -> memref<640xf32, #tpu.memory_space<vmem_shared>>
      %dma_start3A_29 = tpu.memref_slice %arg7[%mul3A_13] : memref<10240xf32, #tpu.memory_space<vmem_shared>> -> memref<640xf32, #tpu.memory_space<vmem_shared>>
      tpu.enqueue_dma source(%arg6 : memref<640xf32, #tpu.memory_space<vmem>>) target(%dma_start3A_29 : memref<640xf32, #tpu.memory_space<vmem_shared>>) target_semaphore(%run_scoped3A_28 : memref<!tpu.dma_semaphore, #tpu.memory_space<semaphore_mem>>)
      %dma_wait3A = tpu.memref_slice %arg7[%mul3A_13] : memref<10240xf32, #tpu.memory_space<vmem_shared>> -> memref<640xf32, #tpu.memory_space<vmem_shared>>
      %dma_wait3A_30 = tpu.memref_slice %arg7[%mul3A_13] : memref<10240xf32, #tpu.memory_space<vmem_shared>> -> memref<640xf32, #tpu.memory_space<vmem_shared>>
      tpu.wait_dma2 semaphore(%run_scoped3A_28 : memref<!tpu.dma_semaphore, #tpu.memory_space<semaphore_mem>>) src(%arg6 : memref<640xf32, #tpu.memory_space<vmem>>) dst(%dma_wait3A_30 : memref<640xf32, #tpu.memory_space<vmem_shared>>)
      tpu.yield
    }) : () -> ()
    %barrier3A = arith.constant 0 : index
    tpu.barrier barrier_id(%barrier3A)
    %mul3A_14 = arith.constant 16 : i32
    %mul3A_15 = arith.muli %arg0, %mul3A_14 : i32
    %add3A = arith.addi %mul3A_15, %arg1 : i32
    %run_scoped3A = arith.constant 1 : i32
    "tpu.region"() ({
      %run_scoped3A_28 = tpu.sem_alloc : memref<!tpu.dma_semaphore, #tpu.memory_space<semaphore_mem>>
      %dma_start3A = arith.constant 0 : i32
      %dma_start3A_29 = arith.constant 0 : i32
      %dma_start3A_30 = tpu.memref_slice %arg2[%run_scoped3A, %add3A, %dma_start3A, %dma_start3A_29] : memref<2x32x125x80xi32, #tpu.memory_space<hbm>> -> memref<1x1x125x80xi32, #tpu.memory_space<hbm>>
      %dma_start3A_31 = tpu.memref_squeeze %dma_start3A_30 : memref<1x1x125x80xi32, #tpu.memory_space<hbm>> -> memref<125x80xi32, #tpu.memory_space<hbm>>
      %dma_start3A_32 = arith.constant 0 : i32
      %dma_start3A_33 = arith.constant 0 : i32
      %dma_start3A_34 = tpu.memref_slice %arg2[%run_scoped3A, %add3A, %dma_start3A_32, %dma_start3A_33] : memref<2x32x125x80xi32, #tpu.memory_space<hbm>> -> memref<1x1x125x80xi32, #tpu.memory_space<hbm>>
      %dma_start3A_35 = tpu.memref_squeeze %dma_start3A_34 : memref<1x1x125x80xi32, #tpu.memory_space<hbm>> -> memref<125x80xi32, #tpu.memory_space<hbm>>
      tpu.enqueue_dma source(%dma_start3A_35 : memref<125x80xi32, #tpu.memory_space<hbm>>) target(%arg4 : memref<125x80xi32, #tpu.memory_space<vmem>>) target_semaphore(%run_scoped3A_28 : memref<!tpu.dma_semaphore, #tpu.memory_space<semaphore_mem>>)
      %dma_wait3A = arith.constant 0 : i32
      %dma_wait3A_36 = arith.constant 0 : i32
      %dma_wait3A_37 = tpu.memref_slice %arg2[%run_scoped3A, %add3A, %dma_wait3A, %dma_wait3A_36] : memref<2x32x125x80xi32, #tpu.memory_space<hbm>> -> memref<1x1x125x80xi32, #tpu.memory_space<hbm>>
      %dma_wait3A_38 = tpu.memref_squeeze %dma_wait3A_37 : memref<1x1x125x80xi32, #tpu.memory_space<hbm>> -> memref<125x80xi32, #tpu.memory_space<hbm>>
      %dma_wait3A_39 = arith.constant 0 : i32
      %dma_wait3A_40 = arith.constant 0 : i32
      %dma_wait3A_41 = tpu.memref_slice %arg2[%run_scoped3A, %add3A, %dma_wait3A_39, %dma_wait3A_40] : memref<2x32x125x80xi32, #tpu.memory_space<hbm>> -> memref<1x1x125x80xi32, #tpu.memory_space<hbm>>
      %dma_wait3A_42 = tpu.memref_squeeze %dma_wait3A_41 : memref<1x1x125x80xi32, #tpu.memory_space<hbm>> -> memref<125x80xi32, #tpu.memory_space<hbm>>
      tpu.wait_dma2 semaphore(%run_scoped3A_28 : memref<!tpu.dma_semaphore, #tpu.memory_space<semaphore_mem>>) src(%dma_wait3A_42 : memref<125x80xi32, #tpu.memory_space<hbm>>) dst(%arg4 : memref<125x80xi32, #tpu.memory_space<vmem>>)
      tpu.yield
    }) : () -> ()
    %scan3A_16 = arith.constant 0 : i32
    %scan3A_17 = arith.constant 0 : i32
    %scan3A_18 = arith.constant 125 : i32
    %scan3A_19 = arith.addi %scan3A_17, %scan3A_18 : i32
    %scan3A_20 = arith.constant 1 : i32
    %scan3A_21 = scf.for %scan3A_28 = %scan3A_17 to %scan3A_19 step %scan3A_20 iter_args(%scan3A_29 = %scan3A_16) -> (i32)  : i32 {
      "tpu.region"() ({
        %run_scoped3A_31 = tpu.sem_alloc : memref<!tpu.dma_semaphore, #tpu.memory_space<semaphore_mem>>
        %dma_start3A = arith.constant 0 : i32
        %dma_start3A_32 = tpu.memref_slice %arg4[%scan3A_28, %dma_start3A] : memref<125x80xi32, #tpu.memory_space<vmem>> -> memref<1x80xi32, #tpu.memory_space<vmem>>
        %dma_start3A_33 = tpu.memref_squeeze %dma_start3A_32 : memref<1x80xi32, #tpu.memory_space<vmem>> -> memref<80xi32, #tpu.memory_space<vmem>>
        %dma_start3A_34 = arith.constant 0 : i32
        %dma_start3A_35 = tpu.memref_slice %arg7[%dma_start3A_34] : memref<10240xf32, #tpu.memory_space<vmem_shared>> -> memref<10240xf32, #tpu.memory_space<vmem_shared>>
        tpu.enqueue_indirect_dma source(%arg5 : memref<80xf32, #tpu.memory_space<vmem>>) target(%dma_start3A_35 : memref<10240xf32, #tpu.memory_space<vmem_shared>>) offsets(%dma_start3A_33 : memref<80xi32, #tpu.memory_space<vmem>>) semaphore(%run_scoped3A_31 : memref<!tpu.dma_semaphore, #tpu.memory_space<semaphore_mem>>) {add = true}
        %dma_wait3A = arith.constant 0 : i32
        %dma_wait3A_36 = tpu.memref_slice %arg4[%scan3A_28, %dma_wait3A] : memref<125x80xi32, #tpu.memory_space<vmem>> -> memref<1x80xi32, #tpu.memory_space<vmem>>
        %dma_wait3A_37 = tpu.memref_squeeze %dma_wait3A_36 : memref<1x80xi32, #tpu.memory_space<vmem>> -> memref<80xi32, #tpu.memory_space<vmem>>
        %dma_wait3A_38 = arith.constant 0 : i32
        %dma_wait3A_39 = tpu.memref_slice %arg7[%dma_wait3A_38] : memref<10240xf32, #tpu.memory_space<vmem_shared>> -> memref<10240xf32, #tpu.memory_space<vmem_shared>>
        tpu.wait_indirect_dma semaphore(%run_scoped3A_31 : memref<!tpu.dma_semaphore, #tpu.memory_space<semaphore_mem>>) src(%arg5 : memref<80xf32, #tpu.memory_space<vmem>>) dst(%dma_wait3A_39 : memref<10240xf32, #tpu.memory_space<vmem_shared>>)
        tpu.yield
      }) : () -> ()
      %scan3A_30 = arith.constant 0 : i32
      scf.yield %scan3A_30 : i32
    }
    %scan3A_22 = arith.constant 125 : i32
    %barrier3A_23 = arith.constant 0 : index
    tpu.barrier barrier_id(%barrier3A_23)
    %mul3A_24 = arith.constant 640 : i32
    %mul3A_25 = arith.muli %arg1, %mul3A_24 : i32
    %mul3A_26 = arith.constant 640 : i32
    %mul3A_27 = arith.muli %arg1, %mul3A_26 : i32
    "tpu.region"() ({
      %run_scoped3A_28 = tpu.sem_alloc : memref<!tpu.dma_semaphore, #tpu.memory_space<semaphore_mem>>
      %dma_start3A = tpu.memref_slice %arg3[%arg0, %mul3A_27] : memref<2x10240xf32, #tpu.memory_space<hbm>> -> memref<1x640xf32, #tpu.memory_space<hbm>>
      %dma_start3A_29 = tpu.memref_squeeze %dma_start3A : memref<1x640xf32, #tpu.memory_space<hbm>> -> memref<640xf32, #tpu.memory_space<hbm>>
      %dma_start3A_30 = tpu.memref_slice %arg7[%mul3A_25] : memref<10240xf32, #tpu.memory_space<vmem_shared>> -> memref<640xf32, #tpu.memory_space<vmem_shared>>
      tpu.enqueue_dma source(%dma_start3A_30 : memref<640xf32, #tpu.memory_space<vmem_shared>>) target(%dma_start3A_29 : memref<640xf32, #tpu.memory_space<hbm>>) target_semaphore(%run_scoped3A_28 : memref<!tpu.dma_semaphore, #tpu.memory_space<semaphore_mem>>)
      %dma_wait3A = tpu.memref_slice %arg3[%arg0, %mul3A_27] : memref<2x10240xf32, #tpu.memory_space<hbm>> -> memref<1x640xf32, #tpu.memory_space<hbm>>
      %dma_wait3A_31 = tpu.memref_squeeze %dma_wait3A : memref<1x640xf32, #tpu.memory_space<hbm>> -> memref<640xf32, #tpu.memory_space<hbm>>
      %dma_wait3A_32 = tpu.memref_slice %arg7[%mul3A_25] : memref<10240xf32, #tpu.memory_space<vmem_shared>> -> memref<640xf32, #tpu.memory_space<vmem_shared>>
      tpu.wait_dma2 semaphore(%run_scoped3A_28 : memref<!tpu.dma_semaphore, #tpu.memory_space<semaphore_mem>>) src(%dma_wait3A_32 : memref<640xf32, #tpu.memory_space<vmem_shared>>) dst(%dma_wait3A_31 : memref<640xf32, #tpu.memory_space<hbm>>)
      tpu.yield
    }) : () -> ()
    return
  }
}

#map = affine_map<(d0, d1) -> (0, 0, 0)>
#map1 = affine_map<(d0, d1) -> (0)>
#map2 = affine_map<(d0, d1) -> (0, 0)>
module attributes {stable_mosaic.version = 14 : i64} {
  func.func @_sc_hist(%arg0: i32, %arg1: i32, %arg2: memref<32x125x80xi32, #tpu.memory_space<hbm>>, %arg3: memref<10240xi32, #tpu.memory_space<hbm>>, %arg4: memref<2x327680xf32, #tpu.memory_space<hbm>>, %arg5: memref<125x80xi32, #tpu.memory_space<vmem>>, %arg6: memref<80xi32, #tpu.memory_space<vmem>>, %arg7: memref<80xi32, #tpu.memory_space<vmem>>, %arg8: memref<80xi32, #tpu.memory_space<vmem>>, %arg9: memref<80xf32, #tpu.memory_space<vmem>>, %arg10: memref<80xi32, #tpu.memory_space<vmem>>, %arg11: memref<640xf32, #tpu.memory_space<vmem>>, %arg12: memref<640xi32, #tpu.memory_space<vmem>>, %arg13: memref<327680xf32, #tpu.memory_space<vmem_shared>>, %arg14: memref<10240xi32, #tpu.memory_space<vmem_shared>>) attributes {dimension_semantics = [#tpu.dimension_semantics<core_parallel>, #tpu.dimension_semantics<subcore_parallel>], iteration_bounds = array<i64: 2, 16>, scalar_prefetch = 0 : i64, scratch_operands = 10 : i64, tpu.core_type = #tpu.core_type<sc_vector_subcore>, window_params = [{transform_indices = #map}, {transform_indices = #map1}, {transform_indices = #map2}]} {
    %mul3A = arith.constant 16 : i32
    %mul3A_0 = arith.muli %arg0, %mul3A : i32
    %add3A = arith.addi %mul3A_0, %arg1 : i32
    %scan3A = arith.constant 0 : i32
    %scan3A_1 = arith.constant 0 : i32
    %scan3A_2 = arith.constant 40 : i32
    %scan3A_3 = arith.addi %scan3A_1, %scan3A_2 : i32
    %scan3A_4 = arith.constant 1 : i32
    %scan3A_5 = scf.for %scan3A_30 = %scan3A_1 to %scan3A_3 step %scan3A_4 iter_args(%scan3A_31 = %scan3A) -> (i32)  : i32 {
      %broadcast_in_dim3A = arith.constant 0.000000e+00 : f32
      %broadcast_in_dim3A_32 = vector.broadcast %broadcast_in_dim3A : f32 to vector<16xf32>
      %mul3A_33 = arith.constant 16 : i32
      %mul3A_34 = arith.muli %scan3A_30, %mul3A_33 : i32
      %swap3A = arith.index_cast %mul3A_34 : i32 to index
      %swap3A_35 = tpu.vector_load %arg11[%swap3A] {strides = array<i32>} : memref<640xf32, #tpu.memory_space<vmem>>, vector<16xf32>,
      %swap3A_36 = vector.shape_cast %swap3A_35 : vector<16xf32> to vector<16xf32>
      %swap3A_37 = vector.shape_cast %broadcast_in_dim3A_32 : vector<16xf32> to vector<16xf32>
      tpu.vector_store %arg11[%swap3A], %swap3A_37 {strides = array<i32>} : memref<640xf32, #tpu.memory_space<vmem>>, vector<16xf32>,
      %scan3A_38 = arith.constant 0 : i32
      scf.yield %scan3A_38 : i32
    }
    %scan3A_6 = arith.constant 40 : i32
    %scan3A_7 = arith.constant 0 : i32
    %scan3A_8 = arith.constant 0 : i32
    %scan3A_9 = arith.constant 32 : i32
    %scan3A_10 = arith.addi %scan3A_8, %scan3A_9 : i32
    %scan3A_11 = arith.constant 1 : i32
    %scan3A_12 = scf.for %scan3A_30 = %scan3A_8 to %scan3A_10 step %scan3A_11 iter_args(%scan3A_31 = %scan3A_7) -> (i32)  : i32 {
      %mul3A_32 = arith.constant 20480 : i32
      %mul3A_33 = arith.muli %arg1, %mul3A_32 : i32
      %mul3A_34 = arith.constant 640 : i32
      %mul3A_35 = arith.muli %scan3A_30, %mul3A_34 : i32
      %add3A_36 = arith.addi %mul3A_33, %mul3A_35 : i32
      "tpu.region"() ({
        %run_scoped3A = tpu.sem_alloc : memref<!tpu.dma_semaphore, #tpu.memory_space<semaphore_mem>>
        %dma_start3A = tpu.memref_slice %arg13[%add3A_36] : memref<327680xf32, #tpu.memory_space<vmem_shared>> -> memref<640xf32, #tpu.memory_space<vmem_shared>>
        %dma_start3A_38 = tpu.memref_slice %arg13[%add3A_36] : memref<327680xf32, #tpu.memory_space<vmem_shared>> -> memref<640xf32, #tpu.memory_space<vmem_shared>>
        tpu.enqueue_dma source(%arg11 : memref<640xf32, #tpu.memory_space<vmem>>) target(%dma_start3A_38 : memref<640xf32, #tpu.memory_space<vmem_shared>>) target_semaphore(%run_scoped3A : memref<!tpu.dma_semaphore, #tpu.memory_space<semaphore_mem>>)
        %dma_wait3A = tpu.memref_slice %arg13[%add3A_36] : memref<327680xf32, #tpu.memory_space<vmem_shared>> -> memref<640xf32, #tpu.memory_space<vmem_shared>>
        %dma_wait3A_39 = tpu.memref_slice %arg13[%add3A_36] : memref<327680xf32, #tpu.memory_space<vmem_shared>> -> memref<640xf32, #tpu.memory_space<vmem_shared>>
        tpu.wait_dma2 semaphore(%run_scoped3A : memref<!tpu.dma_semaphore, #tpu.memory_space<semaphore_mem>>) src(%arg11 : memref<640xf32, #tpu.memory_space<vmem>>) dst(%dma_wait3A_39 : memref<640xf32, #tpu.memory_space<vmem_shared>>)
        tpu.yield
      }) : () -> ()
      %scan3A_37 = arith.constant 0 : i32
      scf.yield %scan3A_37 : i32
    }
    %scan3A_13 = arith.constant 32 : i32
    %mul3A_14 = arith.constant 640 : i32
    %mul3A_15 = arith.muli %arg1, %mul3A_14 : i32
    "tpu.region"() ({
      %run_scoped3A = tpu.sem_alloc : memref<!tpu.dma_semaphore, #tpu.memory_space<semaphore_mem>>
      %dma_start3A = tpu.memref_slice %arg3[%mul3A_15] : memref<10240xi32, #tpu.memory_space<hbm>> -> memref<640xi32, #tpu.memory_space<hbm>>
      %dma_start3A_30 = tpu.memref_slice %arg3[%mul3A_15] : memref<10240xi32, #tpu.memory_space<hbm>> -> memref<640xi32, #tpu.memory_space<hbm>>
      tpu.enqueue_dma source(%dma_start3A_30 : memref<640xi32, #tpu.memory_space<hbm>>) target(%arg12 : memref<640xi32, #tpu.memory_space<vmem>>) target_semaphore(%run_scoped3A : memref<!tpu.dma_semaphore, #tpu.memory_space<semaphore_mem>>)
      %dma_wait3A = tpu.memref_slice %arg3[%mul3A_15] : memref<10240xi32, #tpu.memory_space<hbm>> -> memref<640xi32, #tpu.memory_space<hbm>>
      %dma_wait3A_31 = tpu.memref_slice %arg3[%mul3A_15] : memref<10240xi32, #tpu.memory_space<hbm>> -> memref<640xi32, #tpu.memory_space<hbm>>
      tpu.wait_dma2 semaphore(%run_scoped3A : memref<!tpu.dma_semaphore, #tpu.memory_space<semaphore_mem>>) src(%dma_wait3A_31 : memref<640xi32, #tpu.memory_space<hbm>>) dst(%arg12 : memref<640xi32, #tpu.memory_space<vmem>>)
      tpu.yield
    }) : () -> ()
    %mul3A_16 = arith.constant 640 : i32
    %mul3A_17 = arith.muli %arg1, %mul3A_16 : i32
    "tpu.region"() ({
      %run_scoped3A = tpu.sem_alloc : memref<!tpu.dma_semaphore, #tpu.memory_space<semaphore_mem>>
      %dma_start3A = tpu.memref_slice %arg14[%mul3A_17] : memref<10240xi32, #tpu.memory_space<vmem_shared>> -> memref<640xi32, #tpu.memory_space<vmem_shared>>
      %dma_start3A_30 = tpu.memref_slice %arg14[%mul3A_17] : memref<10240xi32, #tpu.memory_space<vmem_shared>> -> memref<640xi32, #tpu.memory_space<vmem_shared>>
      tpu.enqueue_dma source(%arg12 : memref<640xi32, #tpu.memory_space<vmem>>) target(%dma_start3A_30 : memref<640xi32, #tpu.memory_space<vmem_shared>>) target_semaphore(%run_scoped3A : memref<!tpu.dma_semaphore, #tpu.memory_space<semaphore_mem>>)
      %dma_wait3A = tpu.memref_slice %arg14[%mul3A_17] : memref<10240xi32, #tpu.memory_space<vmem_shared>> -> memref<640xi32, #tpu.memory_space<vmem_shared>>
      %dma_wait3A_31 = tpu.memref_slice %arg14[%mul3A_17] : memref<10240xi32, #tpu.memory_space<vmem_shared>> -> memref<640xi32, #tpu.memory_space<vmem_shared>>
      tpu.wait_dma2 semaphore(%run_scoped3A : memref<!tpu.dma_semaphore, #tpu.memory_space<semaphore_mem>>) src(%arg12 : memref<640xi32, #tpu.memory_space<vmem>>) dst(%dma_wait3A_31 : memref<640xi32, #tpu.memory_space<vmem_shared>>)
      tpu.yield
    }) : () -> ()
    "tpu.region"() ({
      %run_scoped3A = tpu.sem_alloc : memref<!tpu.dma_semaphore, #tpu.memory_space<semaphore_mem>>
      %dma_start3A = arith.constant 0 : i32
      %dma_start3A_30 = arith.constant 0 : i32
      %dma_start3A_31 = tpu.memref_slice %arg2[%add3A, %dma_start3A, %dma_start3A_30] : memref<32x125x80xi32, #tpu.memory_space<hbm>> -> memref<1x125x80xi32, #tpu.memory_space<hbm>>
      %dma_start3A_32 = tpu.memref_squeeze %dma_start3A_31 : memref<1x125x80xi32, #tpu.memory_space<hbm>> -> memref<125x80xi32, #tpu.memory_space<hbm>>
      %dma_start3A_33 = arith.constant 0 : i32
      %dma_start3A_34 = arith.constant 0 : i32
      %dma_start3A_35 = tpu.memref_slice %arg2[%add3A, %dma_start3A_33, %dma_start3A_34] : memref<32x125x80xi32, #tpu.memory_space<hbm>> -> memref<1x125x80xi32, #tpu.memory_space<hbm>>
      %dma_start3A_36 = tpu.memref_squeeze %dma_start3A_35 : memref<1x125x80xi32, #tpu.memory_space<hbm>> -> memref<125x80xi32, #tpu.memory_space<hbm>>
      tpu.enqueue_dma source(%dma_start3A_36 : memref<125x80xi32, #tpu.memory_space<hbm>>) target(%arg5 : memref<125x80xi32, #tpu.memory_space<vmem>>) target_semaphore(%run_scoped3A : memref<!tpu.dma_semaphore, #tpu.memory_space<semaphore_mem>>)
      %dma_wait3A = arith.constant 0 : i32
      %dma_wait3A_37 = arith.constant 0 : i32
      %dma_wait3A_38 = tpu.memref_slice %arg2[%add3A, %dma_wait3A, %dma_wait3A_37] : memref<32x125x80xi32, #tpu.memory_space<hbm>> -> memref<1x125x80xi32, #tpu.memory_space<hbm>>
      %dma_wait3A_39 = tpu.memref_squeeze %dma_wait3A_38 : memref<1x125x80xi32, #tpu.memory_space<hbm>> -> memref<125x80xi32, #tpu.memory_space<hbm>>
      %dma_wait3A_40 = arith.constant 0 : i32
      %dma_wait3A_41 = arith.constant 0 : i32
      %dma_wait3A_42 = tpu.memref_slice %arg2[%add3A, %dma_wait3A_40, %dma_wait3A_41] : memref<32x125x80xi32, #tpu.memory_space<hbm>> -> memref<1x125x80xi32, #tpu.memory_space<hbm>>
      %dma_wait3A_43 = tpu.memref_squeeze %dma_wait3A_42 : memref<1x125x80xi32, #tpu.memory_space<hbm>> -> memref<125x80xi32, #tpu.memory_space<hbm>>
      tpu.wait_dma2 semaphore(%run_scoped3A : memref<!tpu.dma_semaphore, #tpu.memory_space<semaphore_mem>>) src(%dma_wait3A_43 : memref<125x80xi32, #tpu.memory_space<hbm>>) dst(%arg5 : memref<125x80xi32, #tpu.memory_space<vmem>>)
      tpu.yield
    }) : () -> ()
    %barrier3A = arith.constant 0 : index
    tpu.barrier barrier_id(%barrier3A)
    %scan3A_18 = arith.constant 0 : i32
    %scan3A_19 = arith.constant 0 : i32
    %scan3A_20 = arith.constant 125 : i32
    %scan3A_21 = arith.addi %scan3A_19, %scan3A_20 : i32
    %scan3A_22 = arith.constant 1 : i32
    %scan3A_23 = scf.for %scan3A_30 = %scan3A_19 to %scan3A_21 step %scan3A_22 iter_args(%scan3A_31 = %scan3A_18) -> (i32)  : i32 {
      %scan3A_32 = arith.constant 0 : i32
      %scan3A_33 = arith.constant 0 : i32
      %scan3A_34 = arith.constant 5 : i32
      %scan3A_35 = arith.addi %scan3A_33, %scan3A_34 : i32
      %scan3A_36 = arith.constant 1 : i32
      %scan3A_37 = scf.for %scan3A_47 = %scan3A_33 to %scan3A_35 step %scan3A_36 iter_args(%scan3A_48 = %scan3A_32) -> (i32)  : i32 {
        %mul3A_49 = arith.constant 16 : i32
        %mul3A_50 = arith.muli %scan3A_47, %mul3A_49 : i32
        %get3A = arith.index_cast %scan3A_30 : i32 to index
        %get3A_51 = arith.index_cast %mul3A_50 : i32 to index
        %get3A_52 = tpu.vector_load %arg5[%get3A, %get3A_51] {strides = array<i32>} : memref<125x80xi32, #tpu.memory_space<vmem>>, vector<1x16xi32>,
        %get3A_53 = vector.shape_cast %get3A_52 : vector<1x16xi32> to vector<16xi32>
        %and3A = arith.constant 65535 : i32
        %and3A_54 = vector.broadcast %and3A : i32 to vector<16xi32>
        %and3A_55 = arith.andi %get3A_53, %and3A_54 : vector<16xi32>
        %swap3A = arith.index_cast %mul3A_50 : i32 to index
        %swap3A_56 = tpu.vector_load %arg6[%swap3A] {strides = array<i32>} : memref<80xi32, #tpu.memory_space<vmem>>, vector<16xi32>,
        %swap3A_57 = vector.shape_cast %swap3A_56 : vector<16xi32> to vector<16xi32>
        %swap3A_58 = vector.shape_cast %and3A_55 : vector<16xi32> to vector<16xi32>
        tpu.vector_store %arg6[%swap3A], %swap3A_58 {strides = array<i32>} : memref<80xi32, #tpu.memory_space<vmem>>, vector<16xi32>,
        %shift_right_logical3A = arith.constant 16 : i32
        %shift_right_logical3A_59 = vector.broadcast %shift_right_logical3A : i32 to vector<16xi32>
        %shift_right_logical3A_60 = arith.shrui %get3A_53, %shift_right_logical3A_59 : vector<16xi32>
        %swap3A_61 = arith.index_cast %mul3A_50 : i32 to index
        %swap3A_62 = tpu.vector_load %arg7[%swap3A_61] {strides = array<i32>} : memref<80xi32, #tpu.memory_space<vmem>>, vector<16xi32>,
        %swap3A_63 = vector.shape_cast %swap3A_62 : vector<16xi32> to vector<16xi32>
        %swap3A_64 = vector.shape_cast %shift_right_logical3A_60 : vector<16xi32> to vector<16xi32>
        tpu.vector_store %arg7[%swap3A_61], %swap3A_64 {strides = array<i32>} : memref<80xi32, #tpu.memory_space<vmem>>, vector<16xi32>,
        %scan3A_65 = arith.constant 0 : i32
        scf.yield %scan3A_65 : i32
      }
      %scan3A_38 = arith.constant 5 : i32
      "tpu.region"() ({
        %run_scoped3A = tpu.sem_alloc : memref<!tpu.dma_semaphore, #tpu.memory_space<semaphore_mem>>
        %dma_start3A = arith.constant 0 : i32
        %dma_start3A_47 = tpu.memref_slice %arg14[%dma_start3A] : memref<10240xi32, #tpu.memory_space<vmem_shared>> -> memref<10240xi32, #tpu.memory_space<vmem_shared>>
        tpu.enqueue_indirect_dma source(%dma_start3A_47 : memref<10240xi32, #tpu.memory_space<vmem_shared>>) target(%arg8 : memref<80xi32, #tpu.memory_space<vmem>>) offsets(%arg6 : memref<80xi32, #tpu.memory_space<vmem>>) semaphore(%run_scoped3A : memref<!tpu.dma_semaphore, #tpu.memory_space<semaphore_mem>>)
        %dma_wait3A = arith.constant 0 : i32
        %dma_wait3A_48 = tpu.memref_slice %arg14[%dma_wait3A] : memref<10240xi32, #tpu.memory_space<vmem_shared>> -> memref<10240xi32, #tpu.memory_space<vmem_shared>>
        tpu.wait_indirect_dma semaphore(%run_scoped3A : memref<!tpu.dma_semaphore, #tpu.memory_space<semaphore_mem>>) src(%dma_wait3A_48 : memref<10240xi32, #tpu.memory_space<vmem_shared>>) dst(%arg8 : memref<80xi32, #tpu.memory_space<vmem>>)
        tpu.yield
      }) : () -> ()
      %scan3A_39 = arith.constant 0 : i32
      %scan3A_40 = arith.constant 0 : i32
      %scan3A_41 = arith.constant 5 : i32
      %scan3A_42 = arith.addi %scan3A_40, %scan3A_41 : i32
      %scan3A_43 = arith.constant 1 : i32
      %scan3A_44 = scf.for %scan3A_47 = %scan3A_40 to %scan3A_42 step %scan3A_43 iter_args(%scan3A_48 = %scan3A_39) -> (i32)  : i32 {
        %mul3A_49 = arith.constant 16 : i32
        %mul3A_50 = arith.muli %scan3A_47, %mul3A_49 : i32
        %get3A = arith.index_cast %mul3A_50 : i32 to index
        %get3A_51 = tpu.vector_load %arg8[%get3A] {strides = array<i32>} : memref<80xi32, #tpu.memory_space<vmem>>, vector<16xi32>,
        %get3A_52 = vector.shape_cast %get3A_51 : vector<16xi32> to vector<16xi32>
        %get3A_53 = arith.index_cast %mul3A_50 : i32 to index
        %get3A_54 = tpu.vector_load %arg7[%get3A_53] {strides = array<i32>} : memref<80xi32, #tpu.memory_space<vmem>>, vector<16xi32>,
        %get3A_55 = vector.shape_cast %get3A_54 : vector<16xi32> to vector<16xi32>
        %shift_left3A = arith.constant 5 : i32
        %shift_left3A_56 = vector.broadcast %shift_left3A : i32 to vector<16xi32>
        %shift_left3A_57 = arith.shli %get3A_55, %shift_left3A_56 : vector<16xi32>
        %and3A = arith.constant 31 : i32
        %and3A_58 = vector.broadcast %and3A : i32 to vector<16xi32>
        %and3A_59 = arith.andi %get3A_52, %and3A_58 : vector<16xi32>
        %add3A_60 = arith.addi %shift_left3A_57, %and3A_59 : vector<16xi32>
        %swap3A = arith.index_cast %mul3A_50 : i32 to index
        %swap3A_61 = tpu.vector_load %arg10[%swap3A] {strides = array<i32>} : memref<80xi32, #tpu.memory_space<vmem>>, vector<16xi32>,
        %swap3A_62 = vector.shape_cast %swap3A_61 : vector<16xi32> to vector<16xi32>
        %swap3A_63 = vector.shape_cast %add3A_60 : vector<16xi32> to vector<16xi32>
        tpu.vector_store %arg10[%swap3A], %swap3A_63 {strides = array<i32>} : memref<80xi32, #tpu.memory_space<vmem>>, vector<16xi32>,
        %and3A_64 = arith.constant -32 : i32
        %and3A_65 = vector.broadcast %and3A_64 : i32 to vector<16xi32>
        %and3A_66 = arith.andi %get3A_52, %and3A_65 : vector<16xi32>
        %bitcast_convert_type3A = tpu.bitcast %and3A_66 : vector<16xi32> -> vector<16xf32>
        %swap3A_67 = arith.index_cast %mul3A_50 : i32 to index
        %swap3A_68 = tpu.vector_load %arg9[%swap3A_67] {strides = array<i32>} : memref<80xf32, #tpu.memory_space<vmem>>, vector<16xf32>,
        %swap3A_69 = vector.shape_cast %swap3A_68 : vector<16xf32> to vector<16xf32>
        %swap3A_70 = vector.shape_cast %bitcast_convert_type3A : vector<16xf32> to vector<16xf32>
        tpu.vector_store %arg9[%swap3A_67], %swap3A_70 {strides = array<i32>} : memref<80xf32, #tpu.memory_space<vmem>>, vector<16xf32>,
        %scan3A_71 = arith.constant 0 : i32
        scf.yield %scan3A_71 : i32
      }
      %scan3A_45 = arith.constant 5 : i32
      "tpu.region"() ({
        %run_scoped3A = tpu.sem_alloc : memref<!tpu.dma_semaphore, #tpu.memory_space<semaphore_mem>>
        %dma_start3A = arith.constant 0 : i32
        %dma_start3A_47 = tpu.memref_slice %arg13[%dma_start3A] : memref<327680xf32, #tpu.memory_space<vmem_shared>> -> memref<327680xf32, #tpu.memory_space<vmem_shared>>
        tpu.enqueue_indirect_dma source(%arg9 : memref<80xf32, #tpu.memory_space<vmem>>) target(%dma_start3A_47 : memref<327680xf32, #tpu.memory_space<vmem_shared>>) offsets(%arg10 : memref<80xi32, #tpu.memory_space<vmem>>) semaphore(%run_scoped3A : memref<!tpu.dma_semaphore, #tpu.memory_space<semaphore_mem>>) {add = true}
        %dma_wait3A = arith.constant 0 : i32
        %dma_wait3A_48 = tpu.memref_slice %arg13[%dma_wait3A] : memref<327680xf32, #tpu.memory_space<vmem_shared>> -> memref<327680xf32, #tpu.memory_space<vmem_shared>>
        tpu.wait_indirect_dma semaphore(%run_scoped3A : memref<!tpu.dma_semaphore, #tpu.memory_space<semaphore_mem>>) src(%arg9 : memref<80xf32, #tpu.memory_space<vmem>>) dst(%dma_wait3A_48 : memref<327680xf32, #tpu.memory_space<vmem_shared>>)
        tpu.yield
      }) : () -> ()
      %scan3A_46 = arith.constant 0 : i32
      scf.yield %scan3A_46 : i32
    }
    %scan3A_24 = arith.constant 125 : i32
    %barrier3A_25 = arith.constant 0 : index
    tpu.barrier barrier_id(%barrier3A_25)
    %mul3A_26 = arith.constant 20480 : i32
    %mul3A_27 = arith.muli %arg1, %mul3A_26 : i32
    %mul3A_28 = arith.constant 20480 : i32
    %mul3A_29 = arith.muli %arg1, %mul3A_28 : i32
    "tpu.region"() ({
      %run_scoped3A = tpu.sem_alloc : memref<!tpu.dma_semaphore, #tpu.memory_space<semaphore_mem>>
      %dma_start3A = tpu.memref_slice %arg4[%arg0, %mul3A_29] : memref<2x327680xf32, #tpu.memory_space<hbm>> -> memref<1x20480xf32, #tpu.memory_space<hbm>>
      %dma_start3A_30 = tpu.memref_squeeze %dma_start3A : memref<1x20480xf32, #tpu.memory_space<hbm>> -> memref<20480xf32, #tpu.memory_space<hbm>>
      %dma_start3A_31 = tpu.memref_slice %arg13[%mul3A_27] : memref<327680xf32, #tpu.memory_space<vmem_shared>> -> memref<20480xf32, #tpu.memory_space<vmem_shared>>
      tpu.enqueue_dma source(%dma_start3A_31 : memref<20480xf32, #tpu.memory_space<vmem_shared>>) target(%dma_start3A_30 : memref<20480xf32, #tpu.memory_space<hbm>>) target_semaphore(%run_scoped3A : memref<!tpu.dma_semaphore, #tpu.memory_space<semaphore_mem>>)
      %dma_wait3A = tpu.memref_slice %arg4[%arg0, %mul3A_29] : memref<2x327680xf32, #tpu.memory_space<hbm>> -> memref<1x20480xf32, #tpu.memory_space<hbm>>
      %dma_wait3A_32 = tpu.memref_squeeze %dma_wait3A : memref<1x20480xf32, #tpu.memory_space<hbm>> -> memref<20480xf32, #tpu.memory_space<hbm>>
      %dma_wait3A_33 = tpu.memref_slice %arg13[%mul3A_27] : memref<327680xf32, #tpu.memory_space<vmem_shared>> -> memref<20480xf32, #tpu.memory_space<vmem_shared>>
      tpu.wait_dma2 semaphore(%run_scoped3A : memref<!tpu.dma_semaphore, #tpu.memory_space<semaphore_mem>>) src(%dma_wait3A_33 : memref<20480xf32, #tpu.memory_space<vmem_shared>>) dst(%dma_wait3A_32 : memref<20480xf32, #tpu.memory_space<hbm>>)
      tpu.yield
    }) : () -> ()
    return
  }
}

module attributes {stable_mosaic.version = 14 : i64} {
  func.func @_stage0_body(%arg0: memref<2x10240xf32, #tpu.memory_space<vmem>>, %arg1: memref<1x10240xi32, #tpu.memory_space<vmem>>, %arg2: memref<1x10240xi32, #tpu.memory_space<vmem>>) attributes {dimension_semantics = [], scalar_prefetch = 0 : i64, scratch_operands = 0 : i64, tpu.core_type = #tpu.core_type<tc>} {
    %get3A = arith.constant 0 : index
    %get3A_0 = arith.constant 0 : index
    %get3A_1 = vector.load %arg0[%get3A, %get3A_0] : memref<2x10240xf32, #tpu.memory_space<vmem>>, vector<2x10240xf32>
    %slice3A = vector.extract_strided_slice %get3A_1 {offsets = [0, 0], sizes = [1, 10240], strides = [1, 1]} : vector<2x10240xf32> to vector<1x10240xf32>
    %slice3A_2 = vector.extract_strided_slice %get3A_1 {offsets = [1, 0], sizes = [1, 10240], strides = [1, 1]} : vector<2x10240xf32> to vector<1x10240xf32>
    %add3A = arith.addf %slice3A, %slice3A_2 : vector<1x10240xf32>
    %add3A_3 = arith.constant 1.000000e+00 : f32
    %add3A_4 = vector.broadcast %add3A_3 : f32 to vector<1x10240xf32>
    %add3A_5 = arith.addf %add3A, %add3A_4 : vector<1x10240xf32>
    %rsqrt3A = math.rsqrt %add3A_5 : vector<1x10240xf32>
    %bitcast_convert_type3A = tpu.bitcast %rsqrt3A : vector<1x10240xf32> -> vector<1x10240xi32>
    %add3A_6 = arith.constant 16 : i32
    %add3A_7 = vector.broadcast %add3A_6 : i32 to vector<1x10240xi32>
    %add3A_8 = arith.addi %bitcast_convert_type3A, %add3A_7 : vector<1x10240xi32>
    %and3A = arith.constant -32 : i32
    %and3A_9 = vector.broadcast %and3A : i32 to vector<1x10240xi32>
    %and3A_10 = arith.andi %add3A_8, %and3A_9 : vector<1x10240xi32>
    %get3A_11 = arith.constant 0 : index
    %get3A_12 = arith.constant 0 : index
    %get3A_13 = vector.load %arg1[%get3A_11, %get3A_12] : memref<1x10240xi32, #tpu.memory_space<vmem>>, vector<1x10240xi32>
    %or3A = arith.ori %and3A_10, %get3A_13 : vector<1x10240xi32>
    %swap3A = arith.constant 0 : index
    %swap3A_14 = arith.constant 0 : index
    %swap3A_15 = vector.load %arg2[%swap3A, %swap3A_14] : memref<1x10240xi32, #tpu.memory_space<vmem>>, vector<1x10240xi32>
    tpu.vector_store %arg2[%swap3A, %swap3A_14], %or3A {strides = array<i32>} : memref<1x10240xi32, #tpu.memory_space<vmem>>, vector<1x10240xi32>,
    return
  }
}

module attributes {stable_mosaic.version = 14 : i64} {
  func.func @_stage2_body(%arg0: memref<2x10000x32xf32, #tpu.memory_space<vmem>>, %arg1: memref<10000x2xf32, #tpu.memory_space<vmem>>, %arg2: memref<10000x1xi32, #tpu.memory_space<vmem>>, %arg3: memref<25x128xf32, #tpu.memory_space<vmem>>, %arg4: memref<128x128xf32, #tpu.memory_space<vmem>>, %arg5: memref<1x128xf32, #tpu.memory_space<vmem>>, %arg6: memref<128x128xf32, #tpu.memory_space<vmem>>, %arg7: memref<10000x128xf32, #tpu.memory_space<vmem>>) attributes {dimension_semantics = [], scalar_prefetch = 0 : i64, scratch_operands = 0 : i64, tpu.core_type = #tpu.core_type<tc>} {
    %get3A = arith.constant 0 : index
    %get3A_0 = arith.constant 0 : index
    %get3A_1 = vector.load %arg1[%get3A, %get3A_0] : memref<10000x2xf32, #tpu.memory_space<vmem>>, vector<10000x2xf32>
    %slice3A = vector.extract_strided_slice %get3A_1 {offsets = [0, 0], sizes = [10000, 1], strides = [1, 1]} : vector<10000x2xf32> to vector<10000x1xf32>
    %slice3A_2 = vector.extract_strided_slice %get3A_1 {offsets = [0, 1], sizes = [10000, 1], strides = [1, 1]} : vector<10000x2xf32> to vector<10000x1xf32>
    %add3A = arith.addf %slice3A, %slice3A_2 : vector<10000x1xf32>
    %add3A_3 = arith.constant 1.000000e+00 : f32
    %add3A_4 = vector.broadcast %add3A_3 : f32 to vector<10000x1xf32>
    %add3A_5 = arith.addf %add3A, %add3A_4 : vector<10000x1xf32>
    %rsqrt3A = math.rsqrt %add3A_5 : vector<10000x1xf32>
    %get3A_6 = arith.constant 0 : index
    %get3A_7 = arith.constant 0 : index
    %get3A_8 = vector.load %arg2[%get3A_6, %get3A_7] : memref<10000x1xi32, #tpu.memory_space<vmem>>, vector<10000x1xi32>
    %iota3A = tpu.iota {dimensions = array<i32: 1>} : vector<10000x25xi32>
    %eq3A = vector.broadcast %get3A_8 : vector<10000x1xi32> to vector<10000x25xi32>
    %eq3A_9 = arith.cmpi eq, %eq3A, %iota3A : vector<10000x25xi32>
    %convert_element_type3A = arith.extui %eq3A_9 : vector<10000x25xi1> to vector<10000x25xi32>
    %convert_element_type3A_10 = arith.sitofp %convert_element_type3A : vector<10000x25xi32> to vector<10000x25xf32>
    %get3A_11 = arith.constant 0 : index
    %get3A_12 = arith.constant 0 : index
    %get3A_13 = arith.constant 0 : index
    %get3A_14 = vector.load %arg0[%get3A_11, %get3A_12, %get3A_13] : memref<2x10000x32xf32, #tpu.memory_space<vmem>>, vector<1x10000x32xf32>
    %get3A_15 = vector.shape_cast %get3A_14 : vector<1x10000x32xf32> to vector<10000x32xf32>
    %get3A_16 = arith.constant 1 : index
    %get3A_17 = arith.constant 0 : index
    %get3A_18 = arith.constant 0 : index
    %get3A_19 = vector.load %arg0[%get3A_16, %get3A_17, %get3A_18] : memref<2x10000x32xf32, #tpu.memory_space<vmem>>, vector<1x10000x32xf32>
    %get3A_20 = vector.shape_cast %get3A_19 : vector<1x10000x32xf32> to vector<10000x32xf32>
    %add3A_21 = arith.addf %get3A_15, %get3A_20 : vector<10000x32xf32>
    %slice3A_22 = vector.extract_strided_slice %add3A_21 {offsets = [0, 0], sizes = [10000, 25], strides = [1, 1]} : vector<10000x32xf32> to vector<10000x25xf32>
    %mul3A = vector.broadcast %rsqrt3A : vector<10000x1xf32> to vector<10000x25xf32>
    %mul3A_23 = arith.mulf %mul3A, %convert_element_type3A_10 : vector<10000x25xf32>
    %add3A_24 = arith.addf %slice3A_22, %mul3A_23 : vector<10000x25xf32>
    %get3A_25 = arith.constant 0 : index
    %get3A_26 = arith.constant 0 : index
    %get3A_27 = vector.load %arg3[%get3A_25, %get3A_26] : memref<25x128xf32, #tpu.memory_space<vmem>>, vector<25x128xf32>
    %get3A_28 = arith.constant 0 : index
    %get3A_29 = arith.constant 0 : index
    %get3A_30 = vector.load %arg4[%get3A_28, %get3A_29] : memref<128x128xf32, #tpu.memory_space<vmem>>, vector<128x128xf32>
    %dot_general3A = arith.constant dense<0.000000e+00> : vector<25x128xf32>
    %dot_general3A_31 = tpu.matmul %get3A_27, %get3A_30, %dot_general3A {dimension_numbers = #tpu.dot_dimension_numbers<[1], [0], [0], [1], [0, 0, 1, 1], [], []>, precision = #tpu.contract_precision<fp32>, transpose_lhs_hint = false} : vector<25x128xf32>, vector<128x128xf32>, vector<25x128xf32> -> vector<25x128xf32>
    %dot_general3A_32 = arith.constant dense<0.000000e+00> : vector<10000x128xf32>
    %dot_general3A_33 = tpu.matmul %add3A_24, %dot_general3A_31, %dot_general3A_32 {dimension_numbers = #tpu.dot_dimension_numbers<[1], [0], [0], [1], [0, 0, 1, 1], [], []>, precision = #tpu.contract_precision<fp32>, transpose_lhs_hint = false} : vector<10000x25xf32>, vector<25x128xf32>, vector<10000x128xf32> -> vector<10000x128xf32>
    %mul3A_34 = vector.broadcast %rsqrt3A : vector<10000x1xf32> to vector<10000x128xf32>
    %mul3A_35 = arith.mulf %mul3A_34, %dot_general3A_33 : vector<10000x128xf32>
    %get3A_36 = arith.constant 0 : index
    %get3A_37 = arith.constant 0 : index
    %get3A_38 = vector.load %arg5[%get3A_36, %get3A_37] : memref<1x128xf32, #tpu.memory_space<vmem>>, vector<1x128xf32>
    %add3A_39 = vector.broadcast %get3A_38 : vector<1x128xf32> to vector<10000x128xf32>
    %add3A_40 = arith.addf %mul3A_35, %add3A_39 : vector<10000x128xf32>
    %max3A = arith.constant 0.000000e+00 : f32
    %max3A_41 = vector.broadcast %max3A : f32 to vector<10000x128xf32>
    %max3A_42 = arith.maximumf %add3A_40, %max3A_41 : vector<10000x128xf32>
    %get3A_43 = arith.constant 0 : index
    %get3A_44 = arith.constant 0 : index
    %get3A_45 = vector.load %arg6[%get3A_43, %get3A_44] : memref<128x128xf32, #tpu.memory_space<vmem>>, vector<128x128xf32>
    %dot_general3A_46 = arith.constant dense<0.000000e+00> : vector<10000x128xf32>
    %dot_general3A_47 = tpu.matmul %max3A_42, %get3A_45, %dot_general3A_46 {dimension_numbers = #tpu.dot_dimension_numbers<[1], [0], [0], [1], [0, 0, 1, 1], [], []>, precision = #tpu.contract_precision<fp32>, transpose_lhs_hint = false} : vector<10000x128xf32>, vector<128x128xf32>, vector<10000x128xf32> -> vector<10000x128xf32>
    %mul3A_48 = vector.broadcast %rsqrt3A : vector<10000x1xf32> to vector<10000x128xf32>
    %mul3A_49 = arith.mulf %mul3A_48, %dot_general3A_47 : vector<10000x128xf32>
    %swap3A = arith.constant 0 : index
    %swap3A_50 = arith.constant 0 : index
    %swap3A_51 = vector.load %arg7[%swap3A, %swap3A_50] : memref<10000x128xf32, #tpu.memory_space<vmem>>, vector<10000x128xf32>
    tpu.vector_store %arg7[%swap3A, %swap3A_50], %mul3A_49 {strides = array<i32>} : memref<10000x128xf32, #tpu.memory_space<vmem>>, vector<10000x128xf32>,
    return
  }
}

module attributes {stable_mosaic.version = 14 : i64} {
  func.func @_stage3_body(%arg0: memref<2x10000x128xf32, #tpu.memory_space<vmem>>, %arg1: memref<10000x128xf32, #tpu.memory_space<vmem>>, %arg2: memref<10000x2xf32, #tpu.memory_space<vmem>>, %arg3: memref<1x128xf32, #tpu.memory_space<vmem>>, %arg4: memref<128x1xf32, #tpu.memory_space<vmem>>, %arg5: memref<1x1xf32, #tpu.memory_space<vmem>>, %arg6: memref<10000x1xi32, #tpu.memory_space<vmem>>, %arg7: memref<1x64xf32, #tpu.memory_space<vmem>>) attributes {dimension_semantics = [], scalar_prefetch = 0 : i64, scratch_operands = 0 : i64, tpu.core_type = #tpu.core_type<tc>} {
    %get3A = arith.constant 0 : index
    %get3A_0 = arith.constant 0 : index
    %get3A_1 = arith.constant 0 : index
    %get3A_2 = vector.load %arg0[%get3A, %get3A_0, %get3A_1] : memref<2x10000x128xf32, #tpu.memory_space<vmem>>, vector<1x10000x128xf32>
    %get3A_3 = vector.shape_cast %get3A_2 : vector<1x10000x128xf32> to vector<10000x128xf32>
    %get3A_4 = arith.constant 1 : index
    %get3A_5 = arith.constant 0 : index
    %get3A_6 = arith.constant 0 : index
    %get3A_7 = vector.load %arg0[%get3A_4, %get3A_5, %get3A_6] : memref<2x10000x128xf32, #tpu.memory_space<vmem>>, vector<1x10000x128xf32>
    %get3A_8 = vector.shape_cast %get3A_7 : vector<1x10000x128xf32> to vector<10000x128xf32>
    %add3A = arith.addf %get3A_3, %get3A_8 : vector<10000x128xf32>
    %get3A_9 = arith.constant 0 : index
    %get3A_10 = arith.constant 0 : index
    %get3A_11 = vector.load %arg2[%get3A_9, %get3A_10] : memref<10000x2xf32, #tpu.memory_space<vmem>>, vector<10000x2xf32>
    %slice3A = vector.extract_strided_slice %get3A_11 {offsets = [0, 0], sizes = [10000, 1], strides = [1, 1]} : vector<10000x2xf32> to vector<10000x1xf32>
    %slice3A_12 = vector.extract_strided_slice %get3A_11 {offsets = [0, 1], sizes = [10000, 1], strides = [1, 1]} : vector<10000x2xf32> to vector<10000x1xf32>
    %add3A_13 = arith.addf %slice3A, %slice3A_12 : vector<10000x1xf32>
    %add3A_14 = arith.constant 1.000000e+00 : f32
    %add3A_15 = vector.broadcast %add3A_14 : f32 to vector<10000x1xf32>
    %add3A_16 = arith.addf %add3A_13, %add3A_15 : vector<10000x1xf32>
    %rsqrt3A = math.rsqrt %add3A_16 : vector<10000x1xf32>
    %get3A_17 = arith.constant 0 : index
    %get3A_18 = arith.constant 0 : index
    %get3A_19 = vector.load %arg1[%get3A_17, %get3A_18] : memref<10000x128xf32, #tpu.memory_space<vmem>>, vector<10000x128xf32>
    %add3A_20 = arith.addf %add3A, %get3A_19 : vector<10000x128xf32>
    %mul3A = vector.broadcast %rsqrt3A : vector<10000x1xf32> to vector<10000x128xf32>
    %mul3A_21 = arith.mulf %mul3A, %add3A_20 : vector<10000x128xf32>
    %get3A_22 = arith.constant 0 : index
    %get3A_23 = arith.constant 0 : index
    %get3A_24 = vector.load %arg3[%get3A_22, %get3A_23] : memref<1x128xf32, #tpu.memory_space<vmem>>, vector<1x128xf32>
    %add3A_25 = vector.broadcast %get3A_24 : vector<1x128xf32> to vector<10000x128xf32>
    %add3A_26 = arith.addf %mul3A_21, %add3A_25 : vector<10000x128xf32>
    %max3A = arith.constant 0.000000e+00 : f32
    %max3A_27 = vector.broadcast %max3A : f32 to vector<10000x128xf32>
    %max3A_28 = arith.maximumf %add3A_26, %max3A_27 : vector<10000x128xf32>
    %get3A_29 = arith.constant 0 : index
    %get3A_30 = arith.constant 0 : index
    %get3A_31 = vector.load %arg4[%get3A_29, %get3A_30] : memref<128x1xf32, #tpu.memory_space<vmem>>, vector<128x1xf32>
    %dot_general3A = arith.constant dense<0.000000e+00> : vector<10000x1xf32>
    %dot_general3A_32 = tpu.matmul %max3A_28, %get3A_31, %dot_general3A {dimension_numbers = #tpu.dot_dimension_numbers<[1], [0], [0], [1], [0, 0, 1, 1], [], []>, precision = #tpu.contract_precision<fp32>, transpose_lhs_hint = false} : vector<10000x128xf32>, vector<128x1xf32>, vector<10000x1xf32> -> vector<10000x1xf32>
    %get3A_33 = arith.constant 0 : index
    %get3A_34 = arith.constant 0 : index
    %get3A_35 = vector.load %arg6[%get3A_33, %get3A_34] : memref<10000x1xi32, #tpu.memory_space<vmem>>, vector<10000x1xi32>
    %iota3A = tpu.iota {dimensions = array<i32: 1>} : vector<10000x64xi32>
    %eq3A = vector.broadcast %get3A_35 : vector<10000x1xi32> to vector<10000x64xi32>
    %eq3A_36 = arith.cmpi eq, %eq3A, %iota3A : vector<10000x64xi32>
    %convert_element_type3A = arith.extui %eq3A_36 : vector<10000x64xi1> to vector<10000x64xi32>
    %convert_element_type3A_37 = arith.sitofp %convert_element_type3A : vector<10000x64xi32> to vector<10000x64xf32>
    %dot_general3A_38 = arith.constant dense<0.000000e+00> : vector<1x64xf32>
    %dot_general3A_39 = tpu.matmul %dot_general3A_32, %convert_element_type3A_37, %dot_general3A_38 {dimension_numbers = #tpu.dot_dimension_numbers<[0], [0], [1], [1], [0, 1, 1, 1], [], []>, precision = #tpu.contract_precision<fp32>, transpose_lhs_hint = false} : vector<10000x1xf32>, vector<10000x64xf32>, vector<1x64xf32> -> vector<1x64xf32>
    %reduce_sum3A = arith.constant dense<0.000000e+00> : vector<64xf32>
    %reduce_sum3A_40 = vector.multi_reduction <add>, %convert_element_type3A_37, %reduce_sum3A [0] : vector<10000x64xf32> to vector<64xf32>
    %broadcast_in_dim3A = vector.shape_cast %reduce_sum3A_40 : vector<64xf32> to vector<1x64xf32>
    %max3A_41 = arith.constant 1.000000e+00 : f32
    %max3A_42 = vector.broadcast %max3A_41 : f32 to vector<1x64xf32>
    %max3A_43 = arith.maximumf %broadcast_in_dim3A, %max3A_42 : vector<1x64xf32>
    %div3A = arith.divf %dot_general3A_39, %max3A_43 : vector<1x64xf32>
    %get3A_44 = arith.constant 0 : index
    %get3A_45 = arith.constant 0 : index
    %get3A_46 = vector.load %arg5[%get3A_44, %get3A_45] : memref<1x1xf32, #tpu.memory_space<vmem>>, vector<1x1xf32>
    %get3A_47 = vector.extract %get3A_46[0, 0] : f32 from vector<1x1xf32>
    %add3A_48 = vector.broadcast %get3A_47 : f32 to vector<1x64xf32>
    %add3A_49 = arith.addf %div3A, %add3A_48 : vector<1x64xf32>
    %swap3A = arith.constant 0 : index
    %swap3A_50 = arith.constant 0 : index
    %swap3A_51 = vector.load %arg7[%swap3A, %swap3A_50] : memref<1x64xf32, #tpu.memory_space<vmem>>, vector<1x64xf32>
    tpu.vector_store %arg7[%swap3A, %swap3A_50], %add3A_49 {strides = array<i32>} : memref<1x64xf32, #tpu.memory_space<vmem>>, vector<1x64xf32>,
    return
  }
}

</mosaic_0001>

<sc_bundles>
// kernel: kernel.11.cloned.1.call-start
scs
__scs_entry_jumppad:
0x0: {  	(pc) =	sbr.rel $0x88, $3  }
0x1: {  	(tag) =	ssettag $0x0;
	lr =	simm.s32 $0x1  }
0x2: {  	[smem:$0x3F97] =	sst lr;
	_ =	strace $0xD0000000  }
0x3: {  	_ = 	snop  }
0x4: {  	_ = 	snop  }
0x5: {  	_ = 	snop  }
0x6: {  	_ = 	snop  }
0x7: {  	_ = 	snop  }
__scs_overlays_trampoline_lowered:
0x8: {  	[smem:$0x3FA6] =	sst s0  }
0x9: {  	[smem:$0x3FA7] =	sst s1  }
0xa: {  	[smem:$0x3FA8] =	sst s2  }
0xb: {  	[smem:$0x3FA9] =	sst s3  }
0xc: {  	[smem:$0x3FAA] =	sst s4  }
0xd: {  	[smem:$0x3FAB] =	sst s5  }
0xe: {  	[smem:$0x3FAC] =	sst s6  }
0xf: {  	[smem:$0x3FAD] =	sst s7  }
0x10: {  	[smem:$0x3FAE] =	sst s8  }
0x11: {  	[smem:$0x3FAF] =	sst s9;
	s0 =	simm.s32 @!p0 $0x0  }
0x12: {  	s1 =	sld [smem:$0x3F95];
	s0 =	simm.s32 @p0 $0x1  }
0x13: {  	[smem:$0x3FB0] =	sst s0;
	s0 =	simm.s32 @!p1 $0x0  }
0x14: {  	s2 =	sld [smem:$0x3F94];
	s0 =	simm.s32 @p1 $0x1  }
0x15: {  	[smem:$0x3FB1] =	sst s0;
	s0 =	simm.s32 @!p2 $0x0  }
0x16: {  	s3 =	sld [smem:$0x3FDB];
	s0 =	simm.s32 @p2 $0x1  }
0x17: {  	s4 =	simm.s32 $0x1BF5;
	[smem:$0x3FB3] =	sst s0  }
0x18: {  	s0 =	sld [smem:$0x3F96];
	_ =	swait.ge [sflag:s4], $0x0  }
0x19: {  	s7 =	sld [smem:$0x3F97]  }
0x1a: {  	s8 =	sadd.s32 $0xFFFFE003, lr  }
0x1b: {  	s9 =	sadd.s32 $0xFFFFFEF7, lr;
	s5 =	simm.s32 $0xFFFFFFFF;
	p2 =	slt.u32 s8, $0xFFFFF086  }
0x1c: {  	p1 =	slt.u32 s9, $0xF7A;
	s5 =	simm.s32 @!p2 $0x0  }
0x1d: {  	s5 =	simm.s32 @p1 $0x1;
	p0 =	seq.s32 s7, s2  }
0x1e: {  	s7 =	smul.u32 @!p0 $0xF7A, s2;
	p2 =	seq.s32 @!p0 s5, $0x0  }
0x1f: {  	s9 =	smul.u32 $0xF7A, s1;
	s8 =	simm.s32 @!p0 $0x1BF5;
	p2 =	por !p2, p0  }
0x20: {  	[sflag:s8] =	ssyncset.s32 @!p0 $0xFFFFF086;
	s6 =	sadd.s32 @!p0 s3, s7;
	s7 =	simm.s32 @!p0 $0x108  }
0x21: {  	s3 =	sadd.s32 s3, s9;
	s6 =	sadd.s32 @!p0 $0x88, s6;
	s7 =	simm.s32 @p2 $0x1082  }
0x22: {  	[simem:s7], [sflag:s8] =	dma.local @!p0 [hbm:s6], $0xF7A  }
0x23: {  	s9 =	sor.u32 $0xD0000000, s2;
	s6 =	simm.s32 $0x108;
	_ =	swait.ge @!p0 [sflag:s8], $0x0  }
0x24: {  	s3 =	sadd.s32 $0x88, s3;
	s6 =	simm.s32 @!p1 $0x1082;
	[sflag:s4] =	ssyncset.s32 $0xFFFFF086  }
0x25: {  	[simem:s6], [sflag:s4] =	dma.local [hbm:s3], $0xF7A  }
0x26: {  	[smem:$0x3F97] =	sst s1;
	(tag) =	ssettag s2;
	_ =	strace s9  }
0x27: {  	s1 =	sld [smem:$0x3FA7]  }
0x28: {  	s2 =	sld [smem:$0x3FA8]  }
0x29: {  	s4 =	sld [smem:$0x3FAA]  }
0x2a: {  	p0 =	seq.s32 s5, $0x0;
	s5 =	sld [smem:$0x3FAB]  }
0x2b: {  	s6 =	sld [smem:$0x3FAC]  }
0x2c: {  	s7 =	sld [smem:$0x3FAD]  }
0x2d: {  	s3 =	simm.s32 $0x108;
	s8 =	sld [smem:$0x3FAE]  }
0x2e: {  	s3 =	simm.s32 @!p0 $0x1082;
	s9 =	sld [smem:$0x3FAF]  }
0x2f: {  	lr =	sadd.s32 s0, s3;
	s0 =	sld [smem:$0x3FA6]  }
0x30: {  	s3 =	sld [smem:$0x3FA9]  }
0x31: {  	[smem:$0x3FB2] =	sst s10  }
0x32: {  	s10 =	sld [smem:$0x3FB0];
	_ =	sdelay $0x3  }
0x33: {  	p0 =	seq.s32 s10, $0x1;
	s10 =	sld [smem:$0x3FB2];
	_ =	sdelay $0x3  }
0x34: {  	[smem:$0x3FB2] =	sst s10  }
0x35: {  	s10 =	sld [smem:$0x3FB1];
	_ =	sdelay $0x3  }
0x36: {  	p1 =	seq.s32 s10, $0x1;
	s10 =	sld [smem:$0x3FB2];
	_ =	sdelay $0x3  }
0x37: {  	[smem:$0x3FB2] =	sst s10  }
0x38: {  	s10 =	sld [smem:$0x3FB3]  }
0x39: {  	_ = 	snop;
	(pc) =	sbr.ind lr, $3  }
0x3a: {  	_ = 	snop  }
0x3b: {  	_ = 	snop  }
0x3c: {  	p2 =	seq.s32 s10, $0x1;
	s10 =	sld [smem:$0x3FB2]  }
0x3d: {  	_ =	shalt  }
0x3e: {  	_ =	shalt  }
0x3f: {  	_ =	shalt  }
0x40: {  	_ =	shalt  }
0x41: {  	_ =	shalt  }
0x42: {  	_ =	shalt  }
0x43: {  	_ =	shalt  }
0x44: {  	_ =	shalt  }
0x45: {  	_ =	shalt  }
0x46: {  	_ =	shalt  }
0x47: {  	_ =	shalt  }
0x48: {  	_ =	shalt  }
0x49: {  	_ =	shalt  }
0x4a: {  	_ =	shalt  }
0x4b: {  	_ =	shalt  }
0x4c: {  	_ =	shalt  }
0x4d: {  	_ =	shalt  }
0x4e: {  	_ =	shalt  }
0x4f: {  	_ =	shalt  }
0x50: {  	_ =	shalt  }
0x51: {  	_ =	shalt  }
0x52: {  	_ =	shalt  }
0x53: {  	_ =	shalt  }
0x54: {  	_ =	shalt  }
0x55: {  	_ =	shalt  }
0x56: {  	_ =	shalt  }
0x57: {  	_ =	shalt  }
0x58: {  	_ =	shalt  }
0x59: {  	_ =	shalt  }
0x5a: {  	_ =	shalt  }
0x5b: {  	_ =	shalt  }
0x5c: {  	_ =	shalt  }
0x5d: {  	_ =	shalt  }
0x5e: {  	_ =	shalt  }
0x5f: {  	_ =	shalt  }
0x60: {  	_ =	shalt  }
0x61: {  	_ =	shalt  }
0x62: {  	_ =	shalt  }
0x63: {  	_ =	shalt  }
0x64: {  	_ =	shalt  }
0x65: {  	_ =	shalt  }
0x66: {  	_ =	shalt  }
0x67: {  	_ =	shalt  }
0x68: {  	_ =	shalt  }
0x69: {  	_ =	shalt  }
0x6a: {  	_ =	shalt  }
0x6b: {  	_ =	shalt  }
0x6c: {  	_ =	shalt  }
0x6d: {  	_ =	shalt  }
0x6e: {  	_ =	shalt  }
0x6f: {  	_ =	shalt  }
0x70: {  	_ =	shalt  }
0x71: {  	_ =	shalt  }
0x72: {  	_ =	shalt  }
0x73: {  	_ =	shalt  }
0x74: {  	_ =	shalt  }
0x75: {  	_ =	shalt  }
0x76: {  	_ =	shalt  }
0x77: {  	_ =	shalt  }
0x78: {  	_ =	shalt  }
0x79: {  	_ =	shalt  }
0x7a: {  	_ =	shalt  }
0x7b: {  	_ =	shalt  }
0x7c: {  	_ =	shalt  }
0x7d: {  	_ =	shalt  }
0x7e: {  	_ =	shalt  }
0x7f: {  	_ =	shalt  }
0x80: {  	_ =	shalt  }
0x81: {  	_ =	shalt  }
0x82: {  	_ =	shalt  }
0x83: {  	_ =	shalt  }
0x84: {  	_ =	shalt  }
0x85: {  	_ =	shalt  }
0x86: {  	_ =	shalt  }
0x87: {  	_ =	shalt  }
.Lfunc_end0:
.L_simem_size_0:
called_computation.1_lowered:
.L_overlay_start_0:
0x88: {  	s2 =	sld [smem:$0x3FD9]  }
0x89: {  	s3 =	sld [smem:$0x3FFE];
	_ =	sdelay $0x1  }
0x8a: {  	s1 =	srdreg.scid  }
0x8b: {  	s0 =	sand.u32 $0x1, s1  }
0x8c: {  	s16 =	sshll.u32 s0, $0xA;
	s2 =	sadd.s32 s3, s2  }
0x8d: {  	s2 =	sadd.s32 s2, s16  }
0x8e: {  	[smem:$0x3FBE] =	sst s2  }
0x8f: {  	_ = 	snop  }
0x90: {  	(tm) =	ssettm $0x1  }
0x91: {  	s17 =	sld [smem:$0x3FFB];
	_ =	sdelay $0x3  }
0x92: {  	_ =	strace s17  }
0x93: {  	s2 =	sld [smem:$0x3FFC];
	_ =	sdelay $0x3  }
0x94: {  	_ =	strace s2  }
0x95: {  	s2 =	sld [smem:$0x3FFD];
	_ =	sdelay $0x3  }
0x96: {  	_ =	strace s2  }
0x97: {  	_ =	strace $0x8FFFFFFF  }
0x98: {  	s18 =	sld [smem:$0x3FDB];
	_ =	sdelay $0x1  }
0x99: {  	s19 =	simm.s32 $_scs_section_size  }
0x9a: {  	s4 =	simm.s32 $_size__tile_overlayer_lowered;
	s5 =	simm.s32 $_tile_overlayer_lowered  }
0x9b: {  	s22 =	simm.s32 $0x1BFF;
	s21 =	sshll.u32 s5, $0x1;
	s2 =	sadd.s32 s19, s18  }
0x9c: {  	s6 =	simm.s32 $0x0;
	s20 =	sshll.u32 s4, $0x1;
	s4 =	sadd.s32 s21, s2  }
0x9d: {  	[timem:s6], [sflag:s22] =	dma.local [hbm:s4], s20  }
0x9e: {  	_ =	swait.ge [sflag:s22], s20  }
0x9f: {  	s3 =	ssub.s32 $0x0, s20;
	[sflag:s22] =	ssyncset.done $0x0  }
0xa0: {  	[sflag:s22] =	ssyncadd.s32 s3;
	_ =	sdelay $0x1  }
0xa1: {  	s23 =	simm.s32 $0x1B8B  }
0xa2: {  	_ =	swait.ge [sflag:s23], $0x1  }
0xa3: {  	[sflag:s23] =	ssyncset.done $0x0  }
0xa4: {  	s25 =	simm.s32 $0x1B8E;
	s24 =	sld [smem:$0x3FFE];
	[sflag:s23] =	ssyncadd.s32 $0xFFFFFFFF  }
0xa5: {  	s26 =	simm.s32 $execute0_lowered;
	[smem:$0x3FD2] =	sst s25  }
0xa6: {  	s4 =	sshll.u32 s26, $0x1;
	_ =	strace $0x80000049;
	[dreg:$0x1] =	wrdreg $0xFFFFFFFF  }
0xa7: {  	s28 =	simm.s32 $_size_execute0_lowered;
	s2 =	sadd.s32 s2, s4;
	[dreg:$0x0] =	wrdreg $0x0  }
0xa8: {  	s4 =	sshll.u32 s28, $0x1;
	[dreg:$0x2] =	wrdreg s2  }
0xa9: {  	[dreg:$0x3] =	wrdreg s4  }
0xaa: {  	[dreg:$0x4] =	wrdreg $0xC0  }
0xab: {  	_ =	task [dreg:s6], $0x5FFFF  }
0xac: {  	[dreg:$0x1] =	wrdreg $0xFFFFFFFF  }
0xad: {  	[dreg:$0x0] =	wrdreg $0x60  }
0xae: {  	[dreg:$0x2] =	wrdreg s24  }
0xaf: {  	[dreg:$0x3] =	wrdreg $0x47800  }
0xb0: {  	[dreg:$0x4] =	wrdreg $0x97800  }
0xb1: {  	[dreg:$0x5] =	wrdreg $0x9  }
0xb2: {  	_ =	task.clear_ibuf [dreg:s6], $0x6FFFF;
	_ =	strace $0x90000049  }
0xb3: {  	s29 =	simm.s32 $0x9;
	_ =	strace $0x8000004B  }
0xb4: {  	_ =	swait.ge [sflag:s29], $0x1  }
0xb5: {  	[sflag:s29] =	ssyncadd.s32 $0xFFFFFFFF  }
0xb6: {  	_ =	strace $0x9000004B  }
0xb7: {  	_ =	sfence  }
0xb8: {  	s30 =	sld [smem:$0x0];
	_ =	sdelay $0x2  }
0xb9: {  	s31 =	sshll.u32 s1, $0xD;
	s1 =	sshrl.u32 s1, $0x2  }
0xba: {  	s3 =	sand.u32 $0x4000, s31;
	s1 =	sadd.s32 s1, s30  }
0xbb: {  	s0 =	sor.u32 s3, s0;
	s1 =	sshll.u32 s1, $0x11  }
0xbc: {  	s0 =	sor.u32 s1, s0  }
0xbd: {  	s0 =	sadd.s32 $0x8F2B, s0  }
0xbe: {  	[sflag:s0] =	ssyncadd.remote.s32 $0x1  }
0xbf: {  	_ =	sfence.sel $0xFFFF  }
0xc0: {  	[dreg:$0x0] =	wrdreg $0xFFFFFFFF;
	(pc) =	sbr.abs _section_cstart, $3  }
0xc1: {  	[dreg:$0x1] =	wrdreg $0xFFFFFFFF  }
0xc2: {  	_ =	task.clear_ibuf [dreg:s6], $0x2FFFF;
	_ =	strace $0x9FFFFFFF  }
0xc3: {  	(tm) =	ssettm $0x7FFFFFFF  }
tec
execute0_lowered:
.L_overlay_start_1:
0x0: {  	(tag) =	ssettag $0x1  }
0x1: {  	s5 =	rddreg [dreg:$0x0]  }
0x2: {  	s2 =	rddreg [dreg:$0x1]  }
0x3: {  	s3 =	rddreg [dreg:$0x2]  }
0x4: {  	s0 =	rddreg [dreg:$0x3]  }
0x5: {  	s4 =	simm.s32 $0x0;
	s1 =	stileid.u32;
	s6 =	srdreg.scid  }
0x6: {  	s14 =	simm.s32 $0x50;
	s15 =	simm.s32 $0x4000;
	s16 =	simm.s32 $0x4100  }
0x7: {  	s17 =	simm.s32 $0x4200;
	s18 =	simm.s32 $0x4180;
	s21 =	simm.s32 $0x20  }
0x8: {  	s22 =	simm.s32 $0x10;
	[smem:$0x7FF] =	sst s4;
	s7 =	smul.u32 $0xA000, s1  }
0x9: {  	s6 =	sand.u32 $0x1, s6;
	s8 =	sshll.u32 s1, $0xB;
	s9 =	smul.u32 $0x280, s1  }
0xa: {  	s11 =	smul.u32 $0x14000, s1;
	s19 =	sshll.u32 s1, $0x6;
	s10 =	sshll.u32 s6, $0x7  }
0xb: {  	_ =	strace $0x8000004A;
	s8 =	sadd.s32 s8, s5;
	s30 =	ssub.s32 $0x2, s6  }
0xc: {  	s6 =	sshll.u32 s6, $0xF;
	s19 =	sor.u32 $0x1C01, s19;
	s7 =	sor.u32 s10, s7  }
0xd: {  	s29 =	sshrl.u32 s9, $0x3;
	s31 =	sshrl.u32 s30, $0x1;
	s11 =	sshrl.u32 s11, $0x2  }
0xe: {  	s8 =	sadd.s32 s6, s8;
	s7 =	sshrl.u32 s7, $0x3;
	s10 =	sadd.s32 s29, s5  }
0xf: {  	s13 =	ssub.s32 s30, s31;
	s8 =	sadd.s32 $0x23600, s8;
	s12 =	sadd.s32 s7, s5  }
0x10: {  	s5 =	sadd.s32 s11, s2;
	s6 =	sadd.s32 $0x2C00, s10;
	s7 =	sadd.s32 s9, s3  }
0x11: {  	s10 =	smax.u32 s13, $0x1;
	s11 =	simm.s32 $0x4280;
	s13 =	simm.s32 $0x4500  }
0x12: {  	v0 =	vimm.f32 $0.0e+00;
	s9 =	sadd.s32 $0x3200, s12;
	s12 =	simm.s32 $0x1;
	s20 =	sshrl.u32 s5, $0x3  }
.LBB2_1:
0x13: {  	[tilespmem:$0x4280] =	vst v0  }
0x14: {  	[tilespmem:$0x4290] =	vst v0  }
0x15: {  	[tilespmem:$0x42A0] =	vst v0  }
0x16: {  	[tilespmem:$0x42B0] =	vst v0  }
0x17: {  	[tilespmem:$0x42C0] =	vst v0  }
0x18: {  	[tilespmem:$0x42D0] =	vst v0  }
0x19: {  	[tilespmem:$0x42E0] =	vst v0  }
0x1a: {  	[tilespmem:$0x42F0] =	vst v0  }
0x1b: {  	[tilespmem:$0x4300] =	vst v0  }
0x1c: {  	[tilespmem:$0x4310] =	vst v0  }
0x1d: {  	[tilespmem:$0x4320] =	vst v0  }
0x1e: {  	[tilespmem:$0x4330] =	vst v0  }
0x1f: {  	[tilespmem:$0x4340] =	vst v0  }
0x20: {  	[tilespmem:$0x4350] =	vst v0  }
0x21: {  	[tilespmem:$0x4360] =	vst v0  }
0x22: {  	[tilespmem:$0x4370] =	vst v0  }
0x23: {  	[tilespmem:$0x4380] =	vst v0  }
0x24: {  	[tilespmem:$0x4390] =	vst v0  }
0x25: {  	[tilespmem:$0x43A0] =	vst v0  }
0x26: {  	[tilespmem:$0x43B0] =	vst v0  }
0x27: {  	[tilespmem:$0x43C0] =	vst v0  }
0x28: {  	[tilespmem:$0x43D0] =	vst v0  }
0x29: {  	[tilespmem:$0x43E0] =	vst v0  }
0x2a: {  	[tilespmem:$0x43F0] =	vst v0  }
0x2b: {  	[tilespmem:$0x4400] =	vst v0  }
0x2c: {  	[tilespmem:$0x4410] =	vst v0  }
0x2d: {  	[tilespmem:$0x4420] =	vst v0  }
0x2e: {  	[tilespmem:$0x4430] =	vst v0  }
0x2f: {  	[tilespmem:$0x4440] =	vst v0  }
0x30: {  	[tilespmem:$0x4450] =	vst v0  }
0x31: {  	[tilespmem:$0x4460] =	vst v0  }
0x32: {  	[tilespmem:$0x4470] =	vst v0  }
0x33: {  	[tilespmem:$0x4480] =	vst v0  }
0x34: {  	[tilespmem:$0x4490] =	vst v0  }
0x35: {  	[tilespmem:$0x44A0] =	vst v0  }
0x36: {  	[tilespmem:$0x44B0] =	vst v0  }
0x37: {  	[tilespmem:$0x44C0] =	vst v0  }
0x38: {  	[tilespmem:$0x44D0] =	vst v0  }
0x39: {  	[tilespmem:$0x44E0] =	vst v0  }
0x3a: {  	[tilespmem:$0x44F0] =	vst v0;
	s23 =	sadd.s32 $0x0, s5  }
0x3b: {  	[spmem:s23] =	stream.linear.scatter [tilespmem:s11], [sflag:$0x1], $0x280, $0x38;
	[tilespmem:$0x9A00] =	vst v63  }
0x3c: {  	s23 =	simm.s32 $0xA00;
	_ =	swait.ge [sflag:s12], $0x280  }
.LBB2_2:
0x3d: {  	s24 =	sshra.s32 s23, $0x2;
	[sflag:s12] =	ssyncset.done $0x0;
	p0 =	sne.s32 s23, $0x13600  }
.Ltmp0:
0x3e: {  	s24 =	sadd.s32 s24, s5;
	[sflag:s12] =	ssyncadd.s32 $0xFFFFFD80;
	(pc) =	sbr.rel @p0 .LBB2_2-.Ltmp0, $3  }
0x3f: {  	[spmem:s24] =	stream.linear.scatter [tilespmem:s11], [sflag:$0x1], $0x280, $0x38;
	[tilespmem:$0x9A00] =	vst v63  }
0x40: {  	s23 =	sadd.s32 $0xA00, s23;
	_ =	sdelay $0x1  }
0x41: {  	_ =	swait.ge [sflag:s12], $0x280  }
0x42: {  	[sflag:s12] =	ssyncset.done $0x0  }
0x43: {  	s23 =	simm.s32 $0x0;
	[sflag:s12] =	ssyncadd.s32 $0xFFFFFD80  }
0x44: {  	[tilespmem:s13], [sflag:$0x1] =	stream.linear.gather [hbm4b:s6+s23], $0x280, $0x38;
	[tilespmem:$0x9A00] =	vst v63  }
0x45: {  	_ =	swait.ge [sflag:s12], $0x280  }
0x46: {  	[sflag:s12] =	ssyncset.done $0x0  }
0x47: {  	[sflag:s12] =	ssyncadd.s32 $0xFFFFFD80  }
0x48: {  	[spmem:s7] =	stream.linear.scatter [tilespmem:s13], [sflag:$0x1], $0x280, $0x38;
	[tilespmem:$0x9A00] =	vst v63  }
0x49: {  	_ =	swait.ge [sflag:s12], $0x280  }
0x4a: {  	[sflag:s12] =	ssyncset.done $0x0  }
0x4b: {  	[sflag:s12] =	ssyncadd.s32 $0xFFFFFD80  }
0x4c: {  	[tilespmem:s23], [sflag:$0x1] =	stream.linear.gather [hbm4b:s8+s23], $0x3E80, $0x38;
	[tilespmem:$0x9A00] =	vst v63  }
0x4d: {  	_ =	swait.ge [sflag:s12], $0x3E80  }
0x4e: {  	[sflag:s12] =	ssyncset.done $0x0  }
0x4f: {  	[sflag:s12] =	ssyncadd.s32 $0xFFFFC180  }
0x50: {  	s31 =	simm.s32 $0x0;
	[bflag:$0x0] =	sbarrier.arrive $0xFFFF  }
0x51: {  	v1 =	vld [tilespmem:s31+$0x0];
	_ =	sdelay $0x4  }
0x52: {  	v2 =	vand.u32 $0xFFFF, v1  }
0x53: {  	v1 =	vshrl.u32 v1, $0x10;
	[tilespmem:$0x4000] =	vst v2  }
0x54: {  	[tilespmem:$0x4080] =	vst v1  }
0x55: {  	v1 =	vld [tilespmem:s31+$0x10];
	_ =	sdelay $0x4  }
0x56: {  	v2 =	vand.u32 $0xFFFF, v1  }
0x57: {  	v1 =	vshrl.u32 v1, $0x10;
	[tilespmem:$0x4010] =	vst v2  }
0x58: {  	[tilespmem:$0x4090] =	vst v1  }
0x59: {  	v1 =	vld [tilespmem:s31+$0x20];
	_ =	sdelay $0x4  }
0x5a: {  	v2 =	vand.u32 $0xFFFF, v1  }
0x5b: {  	v1 =	vshrl.u32 v1, $0x10;
	[tilespmem:$0x4020] =	vst v2  }
0x5c: {  	[tilespmem:$0x40A0] =	vst v1  }
0x5d: {  	v1 =	vld [tilespmem:s31+$0x30];
	_ =	sdelay $0x4  }
0x5e: {  	v2 =	vand.u32 $0xFFFF, v1  }
0x5f: {  	v1 =	vshrl.u32 v1, $0x10;
	[tilespmem:$0x4030] =	vst v2  }
0x60: {  	[tilespmem:$0x40B0] =	vst v1  }
0x61: {  	v1 =	vld [tilespmem:s31+$0x40];
	_ =	sdelay $0x4  }
0x62: {  	v2 =	vand.u32 $0xFFFF, v1  }
0x63: {  	v1 =	vshrl.u32 v1, $0x10;
	[tilespmem:$0x4040] =	vst v2  }
0x64: {  	[tilespmem:$0x40C0] =	vst v1  }
0x65: {  	[tilespmem:s16], [sflag:$0x1] =	stream.indirect.gather [spmem:s3], $0x1, s15, s14, $0xb8;
	[tilespmem:$0x9A00] =	vst v63  }
0x66: {  	_ =	swait.ge [sflag:s12], $0x50  }
0x67: {  	[sflag:s12] =	ssyncset.done $0x0  }
0x68: {  	s24 =	simm.s32 $0x400;
	s23 =	simm.s32 $0x200;
	[sflag:s12] =	ssyncadd.s32 $0xFFFFFFB0  }
.LBB2_4:
0x69: {  	p0 =	sne.s32 s24, $0xF800;
	v1 =	vld [tilespmem:$0x40C0];
	s25 =	smov.u32 s24;
	s24 =	sadd.s32 $0x200, s24  }
0x6a: {  	v2 =	vld [tilespmem:$0x4140]  }
0x6b: {  	v3 =	vld [tilespmem:$0x40B0]  }
0x6c: {  	v4 =	vld [tilespmem:$0x4130]  }
0x6d: {  	v5 =	vld [tilespmem:$0x40A0]  }
0x6e: {  	v6 =	vld [tilespmem:$0x4120]  }
0x6f: {  	v1 =	vshll.u32 v1, $0x5;
	v7 =	vld [tilespmem:$0x4090];
	v8 =	vand.u32 $0x1F, v2;
	v2 =	vand.u32 $0xFFFFFFE0, v2  }
0x70: {  	v9 =	vld [tilespmem:$0x4110];
	v3 =	vshll.u32 v3, $0x5;
	v1 =	vor.u32 v8, v1;
	[tilespmem:$0x41C0] =	vst v2  }
0x71: {  	v2 =	vld [tilespmem:$0x4080];
	v8 =	vand.u32 $0x1F, v4;
	v4 =	vand.u32 $0xFFFFFFE0, v4;
	[tilespmem:$0x4240] =	vst v1  }
0x72: {  	v1 =	vld [tilespmem:$0x4100];
	v5 =	vshll.u32 v5, $0x5;
	v3 =	vor.u32 v8, v3;
	[tilespmem:$0x41B0] =	vst v4  }
0x73: {  	v4 =	vand.u32 $0x1F, v6;
	v6 =	vand.u32 $0xFFFFFFE0, v6;
	[tilespmem:$0x4230] =	vst v3  }
0x74: {  	v3 =	vshll.u32 v7, $0x5;
	v4 =	vor.u32 v4, v5;
	[tilespmem:$0x41A0] =	vst v6  }
0x75: {  	v5 =	vand.u32 $0x1F, v9;
	v6 =	vand.u32 $0xFFFFFFE0, v9;
	[tilespmem:$0x4220] =	vst v4  }
0x76: {  	v3 =	vor.u32 v5, v3;
	[tilespmem:$0x4190] =	vst v6  }
0x77: {  	v2 =	vshll.u32 v2, $0x5;
	v4 =	vand.u32 $0x1F, v1;
	v1 =	vand.u32 $0xFFFFFFE0, v1;
	[tilespmem:$0x4210] =	vst v3  }
0x78: {  	v2 =	vor.u32 v4, v2;
	[tilespmem:$0x4180] =	vst v1  }
0x79: {  	[tilespmem:$0x4200] =	vst v2  }
0x7a: {  	[spmem:s2] =	stream.indirect.scatter.add.f32 [tilespmem:s18], [sflag:$0x1], $0x1, s17, s14, $0xb8;
	[tilespmem:$0x9A00] =	vst v63  }
0x7b: {  	_ =	swait.ge [sflag:s12], $0x50  }
0x7c: {  	[sflag:s12] =	ssyncset.done $0x0  }
0x7d: {  	s26 =	sshra.s32 s23, $0x2;
	s23 =	smov.u32 s25;
	[sflag:s12] =	ssyncadd.s32 $0xFFFFFFB0  }
0x7e: {  	v1 =	vld [tilespmem:s26+$0x0];
	_ =	sdelay $0x4  }
0x7f: {  	v2 =	vand.u32 $0xFFFF, v1;
	v1 =	vshrl.u32 v1, $0x10  }
0x80: {  	[tilespmem:$0x4000] =	vst v2  }
0x81: {  	[tilespmem:$0x4080] =	vst v1  }
0x82: {  	v1 =	vld [tilespmem:s26+$0x10];
	_ =	sdelay $0x4  }
0x83: {  	v2 =	vand.u32 $0xFFFF, v1;
	v1 =	vshrl.u32 v1, $0x10  }
0x84: {  	[tilespmem:$0x4010] =	vst v2  }
0x85: {  	[tilespmem:$0x4090] =	vst v1  }
0x86: {  	v1 =	vld [tilespmem:s26+$0x20];
	_ =	sdelay $0x4  }
0x87: {  	v2 =	vand.u32 $0xFFFF, v1;
	v1 =	vshrl.u32 v1, $0x10  }
0x88: {  	[tilespmem:$0x4020] =	vst v2  }
0x89: {  	[tilespmem:$0x40A0] =	vst v1  }
0x8a: {  	v1 =	vld [tilespmem:s26+$0x30];
	_ =	sdelay $0x4  }
0x8b: {  	v2 =	vand.u32 $0xFFFF, v1;
	v1 =	vshrl.u32 v1, $0x10  }
0x8c: {  	[tilespmem:$0x4030] =	vst v2  }
0x8d: {  	[tilespmem:$0x40B0] =	vst v1  }
0x8e: {  	v1 =	vld [tilespmem:s26+$0x40];
	_ =	sdelay $0x4  }
0x8f: {  	v2 =	vand.u32 $0xFFFF, v1;
	v1 =	vshrl.u32 v1, $0x10  }
0x90: {  	[tilespmem:$0x4040] =	vst v2  }
.Ltmp1:
0x91: {  	[tilespmem:$0x40C0] =	vst v1;
	(pc) =	sbr.rel @p0 .LBB2_4-.Ltmp1, $4  }
0x92: {  	[tilespmem:s16], [sflag:$0x1] =	stream.indirect.gather [spmem:s3], $0x1, s15, s14, $0xb8;
	[tilespmem:$0x9A00] =	vst v63  }
0x93: {  	_ =	swait.ge [sflag:s12], $0x50  }
0x94: {  	[sflag:s12] =	ssyncset.done $0x0  }
0x95: {  	[sflag:s12] =	ssyncadd.s32 $0xFFFFFFB0  }
0x96: {  	v1 =	vld [tilespmem:$0x40C0]  }
0x97: {  	v2 =	vld [tilespmem:$0x4140]  }
0x98: {  	v4 =	vld [tilespmem:$0x4130]  }
0x99: {  	v3 =	vld [tilespmem:$0x40B0]  }
0x9a: {  	v6 =	vld [tilespmem:$0x4120]  }
0x9b: {  	v9 =	vld [tilespmem:$0x4110]  }
0x9c: {  	v5 =	vld [tilespmem:$0x40A0];
	v8 =	vand.u32 $0x1F, v2;
	v2 =	vand.u32 $0xFFFFFFE0, v2  }
0x9d: {  	v7 =	vld [tilespmem:$0x4090];
	v1 =	vshll.u32 v1, $0x5;
	v44 =	vand.u32 $0x1F, v4;
	v4 =	vand.u32 $0xFFFFFFE0, v4;
	[tilespmem:$0x41C0] =	vst v2  }
0x9e: {  	v1 =	vor.u32 v8, v1;
	v2 =	vshll.u32 v3, $0x5;
	v3 =	vld [tilespmem:$0x4080];
	[tilespmem:$0x41B0] =	vst v4  }
0x9f: {  	v46 =	vand.u32 $0x1F, v6;
	v6 =	vand.u32 $0xFFFFFFE0, v6;
	[tilespmem:$0x4240] =	vst v1;
	v1 =	vld [tilespmem:$0x4100]  }
0xa0: {  	v49 =	vand.u32 $0xFFFFFFE0, v9;
	[tilespmem:$0x41A0] =	vst v6  }
0xa1: {  	v45 =	vshll.u32 v5, $0x5;
	[tilespmem:$0x4190] =	vst v49;
	v2 =	vor.u32 v44, v2  }
0xa2: {  	v47 =	vshll.u32 v7, $0x5;
	v48 =	vand.u32 $0x1F, v9;
	[tilespmem:$0x4230] =	vst v2;
	v2 =	vor.u32 v46, v45  }
0xa3: {  	[tilespmem:$0x4220] =	vst v2;
	v2 =	vor.u32 v48, v47  }
0xa4: {  	[tilespmem:$0x4210] =	vst v2;
	v3 =	vshll.u32 v3, $0x5;
	v50 =	vand.u32 $0x1F, v1;
	v1 =	vand.u32 $0xFFFFFFE0, v1  }
0xa5: {  	v2 =	vor.u32 v50, v3;
	[tilespmem:$0x4180] =	vst v1  }
0xa6: {  	[tilespmem:$0x4200] =	vst v2  }
0xa7: {  	[spmem:s2] =	stream.indirect.scatter.add.f32 [tilespmem:s18], [sflag:$0x1], $0x1, s17, s14, $0xb8;
	[tilespmem:$0x9A00] =	vst v63  }
0xa8: {  	_ =	swait.ge [sflag:s12], $0x50  }
0xa9: {  	[sflag:s12] =	ssyncset.done $0x0  }
0xaa: {  	s23 =	sshra.s32 s23, $0x2;
	[sflag:s12] =	ssyncadd.s32 $0xFFFFFFB0  }
0xab: {  	v1 =	vld [tilespmem:s23+$0x0];
	_ =	sdelay $0x4  }
0xac: {  	v2 =	vand.u32 $0xFFFF, v1  }
0xad: {  	v1 =	vshrl.u32 v1, $0x10;
	[tilespmem:$0x4000] =	vst v2  }
0xae: {  	[tilespmem:$0x4080] =	vst v1  }
0xaf: {  	v1 =	vld [tilespmem:s23+$0x10];
	_ =	sdelay $0x4  }
0xb0: {  	v2 =	vand.u32 $0xFFFF, v1  }
0xb1: {  	v1 =	vshrl.u32 v1, $0x10;
	[tilespmem:$0x4010] =	vst v2  }
0xb2: {  	[tilespmem:$0x4090] =	vst v1  }
0xb3: {  	v1 =	vld [tilespmem:s23+$0x20];
	_ =	sdelay $0x4  }
0xb4: {  	v2 =	vand.u32 $0xFFFF, v1  }
0xb5: {  	v1 =	vshrl.u32 v1, $0x10;
	[tilespmem:$0x4020] =	vst v2  }
0xb6: {  	[tilespmem:$0x40A0] =	vst v1  }
0xb7: {  	v1 =	vld [tilespmem:s23+$0x30];
	_ =	sdelay $0x4  }
0xb8: {  	v2 =	vand.u32 $0xFFFF, v1  }
0xb9: {  	v1 =	vshrl.u32 v1, $0x10;
	[tilespmem:$0x4030] =	vst v2  }
0xba: {  	[tilespmem:$0x40B0] =	vst v1  }
0xbb: {  	v1 =	vld [tilespmem:s23+$0x40];
	_ =	sdelay $0x4  }
0xbc: {  	v2 =	vand.u32 $0xFFFF, v1  }
0xbd: {  	v1 =	vshrl.u32 v1, $0x10;
	[tilespmem:$0x4040] =	vst v2  }
0xbe: {  	[tilespmem:$0x40C0] =	vst v1  }
0xbf: {  	[tilespmem:s16], [sflag:$0x1] =	stream.indirect.gather [spmem:s3], $0x1, s15, s14, $0xb8;
	[tilespmem:$0x9A00] =	vst v63  }
0xc0: {  	_ =	swait.ge [sflag:s12], $0x50  }
0xc1: {  	[sflag:s12] =	ssyncset.done $0x0  }
0xc2: {  	[sflag:s12] =	ssyncadd.s32 $0xFFFFFFB0  }
0xc3: {  	v1 =	vld [tilespmem:$0x40C0]  }
0xc4: {  	v2 =	vld [tilespmem:$0x4140]  }
0xc5: {  	v51 =	vld [tilespmem:$0x4130]  }
0xc6: {  	v3 =	vld [tilespmem:$0x40B0]  }
0xc7: {  	v53 =	vld [tilespmem:$0x4120]  }
0xc8: {  	v56 =	vld [tilespmem:$0x4110]  }
0xc9: {  	v52 =	vld [tilespmem:$0x40A0];
	v55 =	vand.u32 $0x1F, v2;
	v2 =	vand.u32 $0xFFFFFFE0, v2  }
0xca: {  	v54 =	vld [tilespmem:$0x4090];
	v1 =	vshll.u32 v1, $0x5;
	v4 =	vand.u32 $0xFFFFFFE0, v51;
	[tilespmem:$0x41C0] =	vst v2  }
0xcb: {  	v1 =	vor.u32 v55, v1;
	v2 =	vshll.u32 v3, $0x5;
	v3 =	vld [tilespmem:$0x4080];
	[tilespmem:$0x41B0] =	vst v4  }
0xcc: {  	v6 =	vand.u32 $0xFFFFFFE0, v53;
	[tilespmem:$0x4240] =	vst v1;
	v1 =	vld [tilespmem:$0x4100]  }
0xcd: {  	v57 =	vand.u32 $0x1F, v51;
	v62 =	vand.u32 $0xFFFFFFE0, v56;
	[tilespmem:$0x41A0] =	vst v6  }
0xce: {  	v58 =	vshll.u32 v52, $0x5;
	v59 =	vand.u32 $0x1F, v53;
	[tilespmem:$0x4190] =	vst v62;
	v2 =	vor.u32 v57, v2  }
0xcf: {  	v60 =	vshll.u32 v54, $0x5;
	v61 =	vand.u32 $0x1F, v56;
	[tilespmem:$0x4230] =	vst v2;
	v2 =	vor.u32 v59, v58  }
0xd0: {  	[tilespmem:$0x4220] =	vst v2;
	v2 =	vor.u32 v61, v60  }
0xd1: {  	[tilespmem:$0x4210] =	vst v2;
	v3 =	vshll.u32 v3, $0x5;
	v63 =	vand.u32 $0x1F, v1;
	v1 =	vand.u32 $0xFFFFFFE0, v1  }
0xd2: {  	v2 =	vor.u32 v63, v3;
	[tilespmem:$0x4180] =	vst v1  }
0xd3: {  	[tilespmem:$0x4200] =	vst v2  }
0xd4: {  	[spmem:s2] =	stream.indirect.scatter.add.f32 [tilespmem:s18], [sflag:$0x1], $0x1, s17, s14, $0xb8;
	[tilespmem:$0x9A00] =	vst v63  }
0xd5: {  	_ =	swait.ge [sflag:s12], $0x50  }
0xd6: {  	s4 =	sadd.s32 $0x1, s4;
	[sflag:s12] =	ssyncset.done $0x0  }
0xd7: {  	p0 =	sne.s32 s4, s10;
	[sflag:s12] =	ssyncadd.s32 $0xFFFFFFB0  }
.Ltmp2:
0xd8: {  	[bflag:$0x0] =	sbarrier.arrive $0xFFFF;
	(pc) =	sbr.rel @p0 .LBB2_1-.Ltmp2, $4  }
0xd9: {  	[hbm:s9@s21], [sflag:s19] =	dma.strided [spmem:s20@s22], $0xA00, s12, $0x10   }
0xda: {  	_ =	swait.ge [sflag:s12], $0xA00  }
0xdb: {  	[sflag:s12] =	ssyncset.done $0x0  }
0xdc: {  	[sflag:s12] =	ssyncadd.s32 $0xFFFFF600  }
0xdd: {  	_ =	sfence.sel $0x180000  }
0xde: {  	[bflag:$0x0] =	sbarrier.arrive $0xFFFF  }
0xdf: {  	p0 =	sne.s32 s1, $0x0;
	_ =	strace $0x9000004A  }
0xe0: {  	s0 =	sadd.s32 @!p0 $0x100000, s0;
	[bflag:$0x2] =	sbarrier.arrive $0xFFFF  }
0xe1: {  	[sflag:s0] =	ssyncadd.tile.s32 @!p0 $0x1;
	_ =	shalt  }
.Lfunc_end2:
_tile_overlayer_lowered:
.L_overlay_start_2:
0xe2: {  	(tag) =	ssettag $0x2  }
0xe3: {  	s0 =	rddreg [dreg:$0x0];
	s2 =	stileid.u32  }
0xe4: {  	s1 =	rddreg [dreg:$0x1];
	p0 =	sne.s32 s2, $0x0  }
0xe5: {  	s3 =	rddreg [dreg:$0x2];
	[bflag:$0x3] =	sbarrier.arrive $0xFFFF;
	s2 =	simm.s32 @!p0 $0x1C01  }
0xe6: {  	[timem:s3], [sflag:s2] =	dma.local @!p0 [hbm:s0], s1  }
0xe7: {  	s0 =	simm.s32 @!p0 $0x1  }
0xe8: {  	_ =	swait.ge @!p0 [sflag:s0], s1  }
0xe9: {  	s1 =	ssub.s32 @!p0 $0x0, s1;
	[sflag:s0] =	ssyncset.done @!p0 $0x0  }
0xea: {  	[sflag:s0] =	ssyncadd.s32 @!p0 s1  }
0xeb: {  	[bflag:$0x3] =	sbarrier.arrive $0xFFFF  }
0xec: {  	_ =	shalt  }

// kernel: kernel.14.cloned.1.call-start
scs
__scs_entry_jumppad:
0x0: {  	(pc) =	sbr.rel $0x88, $3  }
0x1: {  	(tag) =	ssettag $0x0;
	lr =	simm.s32 $0x1  }
0x2: {  	[smem:$0x3F97] =	sst lr;
	_ =	strace $0xD0000000  }
0x3: {  	_ = 	snop  }
0x4: {  	_ = 	snop  }
0x5: {  	_ = 	snop  }
0x6: {  	_ = 	snop  }
0x7: {  	_ = 	snop  }
__scs_overlays_trampoline_lowered:
0x8: {  	[smem:$0x3FA6] =	sst s0  }
0x9: {  	[smem:$0x3FA7] =	sst s1  }
0xa: {  	[smem:$0x3FA8] =	sst s2  }
0xb: {  	[smem:$0x3FA9] =	sst s3  }
0xc: {  	[smem:$0x3FAA] =	sst s4  }
0xd: {  	[smem:$0x3FAB] =	sst s5  }
0xe: {  	[smem:$0x3FAC] =	sst s6  }
0xf: {  	[smem:$0x3FAD] =	sst s7  }
0x10: {  	[smem:$0x3FAE] =	sst s8  }
0x11: {  	[smem:$0x3FAF] =	sst s9;
	s0 =	simm.s32 @!p0 $0x0  }
0x12: {  	s1 =	sld [smem:$0x3F95];
	s0 =	simm.s32 @p0 $0x1  }
0x13: {  	[smem:$0x3FB0] =	sst s0;
	s0 =	simm.s32 @!p1 $0x0  }
0x14: {  	s2 =	sld [smem:$0x3F94];
	s0 =	simm.s32 @p1 $0x1  }
0x15: {  	[smem:$0x3FB1] =	sst s0;
	s0 =	simm.s32 @!p2 $0x0  }
0x16: {  	s3 =	sld [smem:$0x3FDB];
	s0 =	simm.s32 @p2 $0x1  }
0x17: {  	s4 =	simm.s32 $0x1BF5;
	[smem:$0x3FB3] =	sst s0  }
0x18: {  	s0 =	sld [smem:$0x3F96];
	_ =	swait.ge [sflag:s4], $0x0  }
0x19: {  	s7 =	sld [smem:$0x3F97]  }
0x1a: {  	s8 =	sadd.s32 $0xFFFFE003, lr  }
0x1b: {  	s9 =	sadd.s32 $0xFFFFFEF7, lr;
	s5 =	simm.s32 $0xFFFFFFFF;
	p2 =	slt.u32 s8, $0xFFFFF086  }
0x1c: {  	p1 =	slt.u32 s9, $0xF7A;
	s5 =	simm.s32 @!p2 $0x0  }
0x1d: {  	s5 =	simm.s32 @p1 $0x1;
	p0 =	seq.s32 s7, s2  }
0x1e: {  	s7 =	smul.u32 @!p0 $0xF7A, s2;
	p2 =	seq.s32 @!p0 s5, $0x0  }
0x1f: {  	s9 =	smul.u32 $0xF7A, s1;
	s8 =	simm.s32 @!p0 $0x1BF5;
	p2 =	por !p2, p0  }
0x20: {  	[sflag:s8] =	ssyncset.s32 @!p0 $0xFFFFF086;
	s6 =	sadd.s32 @!p0 s3, s7;
	s7 =	simm.s32 @!p0 $0x108  }
0x21: {  	s3 =	sadd.s32 s3, s9;
	s6 =	sadd.s32 @!p0 $0x88, s6;
	s7 =	simm.s32 @p2 $0x1082  }
0x22: {  	[simem:s7], [sflag:s8] =	dma.local @!p0 [hbm:s6], $0xF7A  }
0x23: {  	s9 =	sor.u32 $0xD0000000, s2;
	s6 =	simm.s32 $0x108;
	_ =	swait.ge @!p0 [sflag:s8], $0x0  }
0x24: {  	s3 =	sadd.s32 $0x88, s3;
	s6 =	simm.s32 @!p1 $0x1082;
	[sflag:s4] =	ssyncset.s32 $0xFFFFF086  }
0x25: {  	[simem:s6], [sflag:s4] =	dma.local [hbm:s3], $0xF7A  }
0x26: {  	[smem:$0x3F97] =	sst s1;
	(tag) =	ssettag s2;
	_ =	strace s9  }
0x27: {  	s1 =	sld [smem:$0x3FA7]  }
0x28: {  	s2 =	sld [smem:$0x3FA8]  }
0x29: {  	s4 =	sld [smem:$0x3FAA]  }
0x2a: {  	p0 =	seq.s32 s5, $0x0;
	s5 =	sld [smem:$0x3FAB]  }
0x2b: {  	s6 =	sld [smem:$0x3FAC]  }
0x2c: {  	s7 =	sld [smem:$0x3FAD]  }
0x2d: {  	s3 =	simm.s32 $0x108;
	s8 =	sld [smem:$0x3FAE]  }
0x2e: {  	s3 =	simm.s32 @!p0 $0x1082;
	s9 =	sld [smem:$0x3FAF]  }
0x2f: {  	lr =	sadd.s32 s0, s3;
	s0 =	sld [smem:$0x3FA6]  }
0x30: {  	s3 =	sld [smem:$0x3FA9]  }
0x31: {  	[smem:$0x3FB2] =	sst s10  }
0x32: {  	s10 =	sld [smem:$0x3FB0];
	_ =	sdelay $0x3  }
0x33: {  	p0 =	seq.s32 s10, $0x1;
	s10 =	sld [smem:$0x3FB2];
	_ =	sdelay $0x3  }
0x34: {  	[smem:$0x3FB2] =	sst s10  }
0x35: {  	s10 =	sld [smem:$0x3FB1];
	_ =	sdelay $0x3  }
0x36: {  	p1 =	seq.s32 s10, $0x1;
	s10 =	sld [smem:$0x3FB2];
	_ =	sdelay $0x3  }
0x37: {  	[smem:$0x3FB2] =	sst s10  }
0x38: {  	s10 =	sld [smem:$0x3FB3]  }
0x39: {  	_ = 	snop;
	(pc) =	sbr.ind lr, $3  }
0x3a: {  	_ = 	snop  }
0x3b: {  	_ = 	snop  }
0x3c: {  	p2 =	seq.s32 s10, $0x1;
	s10 =	sld [smem:$0x3FB2]  }
0x3d: {  	_ =	shalt  }
0x3e: {  	_ =	shalt  }
0x3f: {  	_ =	shalt  }
0x40: {  	_ =	shalt  }
0x41: {  	_ =	shalt  }
0x42: {  	_ =	shalt  }
0x43: {  	_ =	shalt  }
0x44: {  	_ =	shalt  }
0x45: {  	_ =	shalt  }
0x46: {  	_ =	shalt  }
0x47: {  	_ =	shalt  }
0x48: {  	_ =	shalt  }
0x49: {  	_ =	shalt  }
0x4a: {  	_ =	shalt  }
0x4b: {  	_ =	shalt  }
0x4c: {  	_ =	shalt  }
0x4d: {  	_ =	shalt  }
0x4e: {  	_ =	shalt  }
0x4f: {  	_ =	shalt  }
0x50: {  	_ =	shalt  }
0x51: {  	_ =	shalt  }
0x52: {  	_ =	shalt  }
0x53: {  	_ =	shalt  }
0x54: {  	_ =	shalt  }
0x55: {  	_ =	shalt  }
0x56: {  	_ =	shalt  }
0x57: {  	_ =	shalt  }
0x58: {  	_ =	shalt  }
0x59: {  	_ =	shalt  }
0x5a: {  	_ =	shalt  }
0x5b: {  	_ =	shalt  }
0x5c: {  	_ =	shalt  }
0x5d: {  	_ =	shalt  }
0x5e: {  	_ =	shalt  }
0x5f: {  	_ =	shalt  }
0x60: {  	_ =	shalt  }
0x61: {  	_ =	shalt  }
0x62: {  	_ =	shalt  }
0x63: {  	_ =	shalt  }
0x64: {  	_ =	shalt  }
0x65: {  	_ =	shalt  }
0x66: {  	_ =	shalt  }
0x67: {  	_ =	shalt  }
0x68: {  	_ =	shalt  }
0x69: {  	_ =	shalt  }
0x6a: {  	_ =	shalt  }
0x6b: {  	_ =	shalt  }
0x6c: {  	_ =	shalt  }
0x6d: {  	_ =	shalt  }
0x6e: {  	_ =	shalt  }
0x6f: {  	_ =	shalt  }
0x70: {  	_ =	shalt  }
0x71: {  	_ =	shalt  }
0x72: {  	_ =	shalt  }
0x73: {  	_ =	shalt  }
0x74: {  	_ =	shalt  }
0x75: {  	_ =	shalt  }
0x76: {  	_ =	shalt  }
0x77: {  	_ =	shalt  }
0x78: {  	_ =	shalt  }
0x79: {  	_ =	shalt  }
0x7a: {  	_ =	shalt  }
0x7b: {  	_ =	shalt  }
0x7c: {  	_ =	shalt  }
0x7d: {  	_ =	shalt  }
0x7e: {  	_ =	shalt  }
0x7f: {  	_ =	shalt  }
0x80: {  	_ =	shalt  }
0x81: {  	_ =	shalt  }
0x82: {  	_ =	shalt  }
0x83: {  	_ =	shalt  }
0x84: {  	_ =	shalt  }
0x85: {  	_ =	shalt  }
0x86: {  	_ =	shalt  }
0x87: {  	_ =	shalt  }
.Lfunc_end0:
.L_simem_size_0:
called_computation.2_lowered:
.L_overlay_start_0:
0x88: {  	s2 =	sld [smem:$0x3FD9]  }
0x89: {  	s3 =	sld [smem:$0x3FFE];
	_ =	sdelay $0x1  }
0x8a: {  	s1 =	srdreg.scid  }
0x8b: {  	s0 =	sand.u32 $0x1, s1  }
0x8c: {  	s16 =	sshll.u32 s0, $0xA;
	s2 =	sadd.s32 s3, s2  }
0x8d: {  	s2 =	sadd.s32 s2, s16  }
0x8e: {  	[smem:$0x3FBE] =	sst s2  }
0x8f: {  	_ = 	snop  }
0x90: {  	(tm) =	ssettm $0x1  }
0x91: {  	s17 =	sld [smem:$0x3FFB];
	_ =	sdelay $0x3  }
0x92: {  	_ =	strace s17  }
0x93: {  	s2 =	sld [smem:$0x3FFC];
	_ =	sdelay $0x3  }
0x94: {  	_ =	strace s2  }
0x95: {  	s2 =	sld [smem:$0x3FFD];
	_ =	sdelay $0x3  }
0x96: {  	_ =	strace s2  }
0x97: {  	_ =	strace $0x8FFFFFFF  }
0x98: {  	s18 =	sld [smem:$0x3FDB];
	_ =	sdelay $0x1  }
0x99: {  	s19 =	simm.s32 $_scs_section_size  }
0x9a: {  	s4 =	simm.s32 $_size__tile_overlayer_lowered;
	s5 =	simm.s32 $_tile_overlayer_lowered  }
0x9b: {  	s22 =	simm.s32 $0x1BFF;
	s21 =	sshll.u32 s5, $0x1;
	s2 =	sadd.s32 s19, s18  }
0x9c: {  	s6 =	simm.s32 $0x0;
	s20 =	sshll.u32 s4, $0x1;
	s4 =	sadd.s32 s21, s2  }
0x9d: {  	[timem:s6], [sflag:s22] =	dma.local [hbm:s4], s20  }
0x9e: {  	_ =	swait.ge [sflag:s22], s20  }
0x9f: {  	s3 =	ssub.s32 $0x0, s20;
	[sflag:s22] =	ssyncset.done $0x0  }
0xa0: {  	[sflag:s22] =	ssyncadd.s32 s3;
	_ =	sdelay $0x1  }
0xa1: {  	s23 =	simm.s32 $0x1B8B  }
0xa2: {  	_ =	swait.ge [sflag:s23], $0x1  }
0xa3: {  	[sflag:s23] =	ssyncset.done $0x0  }
0xa4: {  	s25 =	simm.s32 $0x1B8E;
	s24 =	sld [smem:$0x3FFE];
	[sflag:s23] =	ssyncadd.s32 $0xFFFFFFFF  }
0xa5: {  	s26 =	simm.s32 $execute0_lowered;
	[smem:$0x3FD2] =	sst s25  }
0xa6: {  	s4 =	sshll.u32 s26, $0x1;
	_ =	strace $0x8000004C;
	[dreg:$0x1] =	wrdreg $0xFFFFFFFF  }
0xa7: {  	s28 =	simm.s32 $_size_execute0_lowered;
	s2 =	sadd.s32 s2, s4;
	[dreg:$0x0] =	wrdreg $0x0  }
0xa8: {  	s4 =	sshll.u32 s28, $0x1;
	[dreg:$0x2] =	wrdreg s2  }
0xa9: {  	[dreg:$0x3] =	wrdreg s4  }
0xaa: {  	[dreg:$0x4] =	wrdreg $0xC0  }
0xab: {  	_ =	task [dreg:s6], $0x5FFFF  }
0xac: {  	[dreg:$0x1] =	wrdreg $0xFFFFFFFF  }
0xad: {  	[dreg:$0x0] =	wrdreg $0x60  }
0xae: {  	[dreg:$0x2] =	wrdreg s24  }
0xaf: {  	[dreg:$0x3] =	wrdreg $0x92000  }
0xb0: {  	[dreg:$0x4] =	wrdreg $0x9  }
0xb1: {  	_ =	task.clear_ibuf [dreg:s6], $0x5FFFF;
	_ =	strace $0x9000004C  }
0xb2: {  	s29 =	simm.s32 $0x9;
	_ =	strace $0x8000004E  }
0xb3: {  	_ =	swait.ge [sflag:s29], $0x1  }
0xb4: {  	[sflag:s29] =	ssyncadd.s32 $0xFFFFFFFF  }
0xb5: {  	_ =	strace $0x9000004E  }
0xb6: {  	_ =	sfence  }
0xb7: {  	s30 =	sld [smem:$0x0];
	_ =	sdelay $0x2  }
0xb8: {  	s31 =	sshll.u32 s1, $0xD;
	s1 =	sshrl.u32 s1, $0x2  }
0xb9: {  	s3 =	sand.u32 $0x4000, s31;
	s1 =	sadd.s32 s1, s30  }
0xba: {  	s0 =	sor.u32 s3, s0;
	s1 =	sshll.u32 s1, $0x11  }
0xbb: {  	s0 =	sor.u32 s1, s0  }
0xbc: {  	s0 =	sadd.s32 $0x8F2B, s0  }
0xbd: {  	[sflag:s0] =	ssyncadd.remote.s32 $0x1  }
0xbe: {  	_ =	sfence.sel $0xFFFF  }
0xbf: {  	[dreg:$0x0] =	wrdreg $0xFFFFFFFF;
	(pc) =	sbr.abs _section_cstart, $3  }
0xc0: {  	[dreg:$0x1] =	wrdreg $0xFFFFFFFF  }
0xc1: {  	_ =	task.clear_ibuf [dreg:s6], $0x2FFFF;
	_ =	strace $0x9FFFFFFF  }
0xc2: {  	(tm) =	ssettm $0x7FFFFFFF  }
0xc3: {  	_ =	shalt  }
tec
execute0_lowered:
.L_overlay_start_1:
0x0: {  	(tag) =	ssettag $0x1  }
0x1: {  	s5 =	rddreg [dreg:$0x0];
	s0 =	srdreg.scid  }
0x2: {  	s2 =	rddreg [dreg:$0x1];
	s1 =	stileid.u32  }
0x3: {  	s3 =	simm.s32 $0x0;
	s16 =	simm.s32 $0x4200;
	s17 =	simm.s32 $0x3  }
0x4: {  	s18 =	simm.s32 $0x50;
	s19 =	simm.s32 $0x4000;
	s20 =	simm.s32 $0x4100  }
0x5: {  	s21 =	simm.s32 $0x6A00;
	s22 =	simm.s32 $0x1;
	s23 =	simm.s32 $0x4080  }
0x6: {  	s24 =	simm.s32 $0x2;
	s25 =	simm.s32 $0x4180;
	s26 =	simm.s32 $0x0  }
0x7: {  	s6 =	sand.u32 $0x1, s0;
	s0 =	rddreg [dreg:$0x2];
	s7 =	smul.u32 $0x14000, s1  }
0x8: {  	[smem:$0x7FF] =	sst s3;
	s8 =	sshll.u32 s1, $0xB;
	s4 =	smul.u32 $0x140000, s6  }
0x9: {  	s10 =	smul.u32 $0x50000, s1;
	s8 =	sadd.s32 s8, s5;
	s9 =	ssub.s32 $0x2, s6  }
0xa: {  	s6 =	sshll.u32 s6, $0xF;
	s29 =	sshrl.u32 s9, $0x1;
	s7 =	sadd.s32 s7, s4  }
0xb: {  	s6 =	sadd.s32 s6, s8;
	s31 =	sshrl.u32 s10, $0x2;
	s7 =	sshrl.u32 s7, $0x3  }
0xc: {  	s4 =	sadd.s32 $0x33600, s5;
	s30 =	ssub.s32 s9, s29;
	s7 =	sadd.s32 s7, s5  }
0xd: {  	s5 =	sadd.s32 $0x23600, s6;
	s6 =	sadd.s32 $0x5A800, s7;
	s7 =	sadd.s32 s31, s2  }
0xe: {  	_ =	strace $0x8000004D;
	s8 =	smax.u32 s30, $0x1;
	s9 =	sadd.s32 $0x2800, s7  }
0xf: {  	s10 =	sadd.s32 $0x5000, s7;
	s11 =	sadd.s32 $0x7800, s7;
	s12 =	sadd.s32 $0xA000, s7  }
0x10: {  	v0 =	vimm.f32 $0.0e+00;
	s13 =	sadd.s32 $0xC800, s7;
	s14 =	sadd.s32 $0xF000, s7;
	s15 =	sadd.s32 $0x11800, s7  }
.LBB2_1:
0x11: {  	s28 =	sand.u32 $0xFE00, s3  }
0x12: {  	s29 =	sand.u32 $0x70, s3;
	s30 =	sshrl.u32 s28, $0x2  }
0x13: {  	s28 =	simm.s32 $0x40;
	s30 =	sor.u32 s29, s30;
	s29 =	simm.s32 $0x0  }
.LBB2_2:
0x14: {  	p0 =	sne.s32 s28, $0x9FC0  }
0x15: {  	[tilespmem:s30+$0x4200] =	vst v0;
	s29 =	sadd.s32 $0x10, s29;
	s30 =	smov.u32 s28;
	s28 =	sadd.s32 $0x40, s28  }
.Ltmp0:
0x16: {  	(pc) =	sbr.rel @p0 .LBB2_2-.Ltmp0, $4  }
0x17: {  	_ = 	snop  }
0x18: {  	s30 =	sand.u32 $0xFE00, s30  }
0x19: {  	s31 =	sand.u32 $0x70, s29;
	s30 =	sshrl.u32 s30, $0x2  }
0x1a: {  	s30 =	sor.u32 s31, s30  }
0x1b: {  	[tilespmem:s30+$0x4200] =	vst v0  }
0x1c: {  	[spmem:s7] =	stream.linear.scatter [tilespmem:s16], [sflag:$0x3], $0x2800, $0x38;
	[tilespmem:$0x1D200] =	vst v63  }
0x1d: {  	_ =	swait.ge [sflag:s17], $0x2800  }
0x1e: {  	[sflag:s17] =	ssyncset.done $0x0  }
0x1f: {  	[sflag:s17] =	ssyncadd.s32 $0xFFFFD800  }
0x20: {  	[spmem:s9] =	stream.linear.scatter [tilespmem:s16], [sflag:$0x3], $0x2800, $0x38;
	[tilespmem:$0x1D200] =	vst v63  }
0x21: {  	_ =	swait.ge [sflag:s17], $0x2800  }
0x22: {  	[sflag:s17] =	ssyncset.done $0x0  }
0x23: {  	[sflag:s17] =	ssyncadd.s32 $0xFFFFD800  }
0x24: {  	[spmem:s10] =	stream.linear.scatter [tilespmem:s16], [sflag:$0x3], $0x2800, $0x38;
	[tilespmem:$0x1D200] =	vst v63  }
0x25: {  	_ =	swait.ge [sflag:s17], $0x2800  }
0x26: {  	[sflag:s17] =	ssyncset.done $0x0  }
0x27: {  	[sflag:s17] =	ssyncadd.s32 $0xFFFFD800  }
0x28: {  	[spmem:s11] =	stream.linear.scatter [tilespmem:s16], [sflag:$0x3], $0x2800, $0x38;
	[tilespmem:$0x1D200] =	vst v63  }
0x29: {  	_ =	swait.ge [sflag:s17], $0x2800  }
0x2a: {  	[sflag:s17] =	ssyncset.done $0x0  }
0x2b: {  	[sflag:s17] =	ssyncadd.s32 $0xFFFFD800  }
0x2c: {  	[spmem:s12] =	stream.linear.scatter [tilespmem:s16], [sflag:$0x3], $0x2800, $0x38;
	[tilespmem:$0x1D200] =	vst v63  }
0x2d: {  	_ =	swait.ge [sflag:s17], $0x2800  }
0x2e: {  	[sflag:s17] =	ssyncset.done $0x0  }
0x2f: {  	[sflag:s17] =	ssyncadd.s32 $0xFFFFD800  }
0x30: {  	[spmem:s13] =	stream.linear.scatter [tilespmem:s16], [sflag:$0x3], $0x2800, $0x38;
	[tilespmem:$0x1D200] =	vst v63  }
0x31: {  	_ =	swait.ge [sflag:s17], $0x2800  }
0x32: {  	[sflag:s17] =	ssyncset.done $0x0  }
0x33: {  	[sflag:s17] =	ssyncadd.s32 $0xFFFFD800  }
0x34: {  	[spmem:s14] =	stream.linear.scatter [tilespmem:s16], [sflag:$0x3], $0x2800, $0x38;
	[tilespmem:$0x1D200] =	vst v63  }
0x35: {  	_ =	swait.ge [sflag:s17], $0x2800  }
0x36: {  	[sflag:s17] =	ssyncset.done $0x0  }
0x37: {  	[sflag:s17] =	ssyncadd.s32 $0xFFFFD800  }
0x38: {  	[spmem:s15] =	stream.linear.scatter [tilespmem:s16], [sflag:$0x3], $0x2800, $0x38;
	[tilespmem:$0x1D200] =	vst v63  }
0x39: {  	_ =	swait.ge [sflag:s17], $0x2800  }
0x3a: {  	[sflag:s17] =	ssyncset.done $0x0  }
0x3b: {  	[sflag:s17] =	ssyncadd.s32 $0xFFFFD800  }
0x3c: {  	s28 =	simm.s32 $0x0;
	[bflag:$0x0] =	sbarrier.arrive $0xFFFF  }
0x3d: {  	[tilespmem:s28], [sflag:$0x3] =	stream.linear.gather [hbm4b:s5+s28], $0x3E80, $0x38;
	[tilespmem:$0x1D200] =	vst v63  }
0x3e: {  	_ =	swait.ge [sflag:s17], $0x3E80  }
0x3f: {  	[sflag:s17] =	ssyncset.done $0x0  }
0x40: {  	[sflag:s17] =	ssyncadd.s32 $0xFFFFC180  }
0x41: {  	v1 =	vld [tilespmem:$0x0];
	_ =	sdelay $0x1  }
0x42: {  	v2 =	vld [tilespmem:$0x10];
	_ =	sdelay $0x1  }
0x43: {  	v3 =	vld [tilespmem:$0x20]  }
0x44: {  	v4 =	vand.u32 $0xFFFF, v1  }
0x45: {  	v63 =	vld [tilespmem:$0x30];
	v1 =	vshrl.u32 v1, $0x10;
	[tilespmem:$0x4000] =	vst v4  }
0x46: {  	[tilespmem:$0x4080] =	vst v1;
	v1 =	vand.u32 $0xFFFF, v2  }
0x47: {  	[tilespmem:$0x4010] =	vst v1;
	v1 =	vshrl.u32 v2, $0x10;
	v2 =	vld [tilespmem:$0x40]  }
0x48: {  	[tilespmem:$0x4090] =	vst v1;
	v1 =	vand.u32 $0xFFFF, v3  }
0x49: {  	[tilespmem:$0x4020] =	vst v1;
	v1 =	vshrl.u32 v3, $0x10  }
0x4a: {  	[tilespmem:$0x40A0] =	vst v1;
	v1 =	vand.u32 $0xFFFF, v63  }
0x4b: {  	[tilespmem:$0x4030] =	vst v1;
	v1 =	vshrl.u32 v63, $0x10  }
0x4c: {  	[tilespmem:$0x40B0] =	vst v1;
	v1 =	vand.u32 $0xFFFF, v2  }
0x4d: {  	[tilespmem:$0x4040] =	vst v1;
	v1 =	vshrl.u32 v2, $0x10  }
0x4e: {  	s29 =	simm.s32 $0x0;
	[tilespmem:$0x40C0] =	vst v1  }
0x4f: {  	[tilespmem:s16], [sflag:$0x1] =	stream.indirect.gather [hbm4b:s4+s18], $0x80, s19, s18, $0xb8;
	[tilespmem:$0x1D200] =	vst v63  }
0x50: {  	v1 =	vld [tilespmem:s29+$0x80];
	_ =	sdelay $0x4  }
0x51: {  	v2 =	vand.u32 $0xFFFF, v1  }
0x52: {  	v1 =	vshrl.u32 v1, $0x10;
	[tilespmem:$0x4100] =	vst v2  }
0x53: {  	[tilespmem:$0x4180] =	vst v1  }
0x54: {  	v1 =	vld [tilespmem:s29+$0x90];
	_ =	sdelay $0x4  }
0x55: {  	v2 =	vand.u32 $0xFFFF, v1  }
0x56: {  	v1 =	vshrl.u32 v1, $0x10;
	[tilespmem:$0x4110] =	vst v2  }
0x57: {  	[tilespmem:$0x4190] =	vst v1  }
0x58: {  	v1 =	vld [tilespmem:s29+$0xA0];
	_ =	sdelay $0x4  }
0x59: {  	v2 =	vand.u32 $0xFFFF, v1  }
0x5a: {  	v1 =	vshrl.u32 v1, $0x10;
	[tilespmem:$0x4120] =	vst v2  }
0x5b: {  	[tilespmem:$0x41A0] =	vst v1  }
0x5c: {  	v1 =	vld [tilespmem:s29+$0xB0];
	_ =	sdelay $0x4  }
0x5d: {  	v2 =	vand.u32 $0xFFFF, v1  }
0x5e: {  	v1 =	vshrl.u32 v1, $0x10;
	[tilespmem:$0x4130] =	vst v2  }
0x5f: {  	[tilespmem:$0x41B0] =	vst v1  }
0x60: {  	v1 =	vld [tilespmem:s29+$0xC0];
	_ =	sdelay $0x4  }
0x61: {  	v2 =	vand.u32 $0xFFFF, v1  }
0x62: {  	v1 =	vshrl.u32 v1, $0x10;
	[tilespmem:$0x4140] =	vst v2  }
0x63: {  	[tilespmem:$0x41C0] =	vst v1  }
0x64: {  	[tilespmem:s21], [sflag:$0x2] =	stream.indirect.gather [hbm4b:s4+s18], $0x80, s20, s18, $0xb8;
	[tilespmem:$0x1D200] =	vst v63  }
0x65: {  	_ =	swait.ge [sflag:s22], $0x2800  }
0x66: {  	[sflag:s22] =	ssyncset.done $0x0  }
0x67: {  	[sflag:s22] =	ssyncadd.s32 $0xFFFFD800  }
0x68: {  	[spmem:s2] =	stream.indirect.scatter.add.f32 [tilespmem:s16], [sflag:$0x3], $0x80, s23, s18, $0xb8;
	[tilespmem:$0x1D200] =	vst v63  }
0x69: {  	_ =	swait.ge [sflag:s17], $0x2800  }
0x6a: {  	[sflag:s17] =	ssyncset.done $0x0  }
0x6b: {  	[sflag:s17] =	ssyncadd.s32 $0xFFFFD800  }
0x6c: {  	v1 =	vld [tilespmem:s29+$0x100];
	_ =	sdelay $0x4  }
0x6d: {  	v2 =	vand.u32 $0xFFFF, v1  }
0x6e: {  	v1 =	vshrl.u32 v1, $0x10;
	[tilespmem:$0x4000] =	vst v2  }
0x6f: {  	[tilespmem:$0x4080] =	vst v1  }
0x70: {  	v1 =	vld [tilespmem:s29+$0x110];
	_ =	sdelay $0x4  }
0x71: {  	v2 =	vand.u32 $0xFFFF, v1  }
0x72: {  	v1 =	vshrl.u32 v1, $0x10;
	[tilespmem:$0x4010] =	vst v2  }
0x73: {  	[tilespmem:$0x4090] =	vst v1  }
0x74: {  	v1 =	vld [tilespmem:s29+$0x120];
	_ =	sdelay $0x4  }
0x75: {  	v2 =	vand.u32 $0xFFFF, v1  }
0x76: {  	v1 =	vshrl.u32 v1, $0x10;
	[tilespmem:$0x4020] =	vst v2  }
0x77: {  	[tilespmem:$0x40A0] =	vst v1  }
0x78: {  	v1 =	vld [tilespmem:s29+$0x130];
	_ =	sdelay $0x4  }
0x79: {  	v2 =	vand.u32 $0xFFFF, v1  }
0x7a: {  	v1 =	vshrl.u32 v1, $0x10;
	[tilespmem:$0x4030] =	vst v2  }
0x7b: {  	[tilespmem:$0x40B0] =	vst v1  }
0x7c: {  	s28 =	simm.s32 $0x400;
	v1 =	vld [tilespmem:s29+$0x140]  }
.LBB2_4:
0x7d: {  	_ =	sdelay $0x3  }
0x7e: {  	p0 =	sne.s32 s28, $0xF400;
	s29 =	smov.u32 s28;
	s28 =	sadd.s32 $0x400, s28;
	v2 =	vand.u32 $0xFFFF, v1;
	v1 =	vshrl.u32 v1, $0x10  }
0x7f: {  	[tilespmem:$0x4040] =	vst v2  }
0x80: {  	[tilespmem:$0x40C0] =	vst v1  }
0x81: {  	[tilespmem:s16], [sflag:$0x1] =	stream.indirect.gather [hbm4b:s4+s18], $0x80, s19, s18, $0xb8;
	[tilespmem:$0x1D200] =	vst v63  }
0x82: {  	_ =	swait.ge [sflag:s24], $0x2800  }
0x83: {  	[sflag:s24] =	ssyncset.done $0x0  }
0x84: {  	[sflag:s24] =	ssyncadd.s32 $0xFFFFD800  }
0x85: {  	[spmem:s2] =	stream.indirect.scatter.add.f32 [tilespmem:s21], [sflag:$0x3], $0x80, s25, s18, $0xb8;
	[tilespmem:$0x1D200] =	vst v63  }
0x86: {  	_ =	swait.ge [sflag:s17], $0x2800  }
0x87: {  	[sflag:s17] =	ssyncset.done $0x0  }
0x88: {  	s29 =	sshra.s32 s29, $0x2;
	[sflag:s17] =	ssyncadd.s32 $0xFFFFD800  }
0x89: {  	v1 =	vld [tilespmem:s29+$0x80];
	_ =	sdelay $0x4  }
0x8a: {  	v2 =	vand.u32 $0xFFFF, v1;
	v1 =	vshrl.u32 v1, $0x10  }
0x8b: {  	[tilespmem:$0x4100] =	vst v2  }
0x8c: {  	[tilespmem:$0x4180] =	vst v1  }
0x8d: {  	v1 =	vld [tilespmem:s29+$0x90];
	_ =	sdelay $0x4  }
0x8e: {  	v2 =	vand.u32 $0xFFFF, v1;
	v1 =	vshrl.u32 v1, $0x10  }
0x8f: {  	[tilespmem:$0x4110] =	vst v2  }
0x90: {  	[tilespmem:$0x4190] =	vst v1  }
0x91: {  	v1 =	vld [tilespmem:s29+$0xA0];
	_ =	sdelay $0x4  }
0x92: {  	v2 =	vand.u32 $0xFFFF, v1;
	v1 =	vshrl.u32 v1, $0x10  }
0x93: {  	[tilespmem:$0x4120] =	vst v2  }
0x94: {  	[tilespmem:$0x41A0] =	vst v1  }
0x95: {  	v1 =	vld [tilespmem:s29+$0xB0];
	_ =	sdelay $0x4  }
0x96: {  	v2 =	vand.u32 $0xFFFF, v1;
	v1 =	vshrl.u32 v1, $0x10  }
0x97: {  	[tilespmem:$0x4130] =	vst v2  }
0x98: {  	[tilespmem:$0x41B0] =	vst v1  }
0x99: {  	v1 =	vld [tilespmem:s29+$0xC0];
	_ =	sdelay $0x4  }
0x9a: {  	v2 =	vand.u32 $0xFFFF, v1;
	v1 =	vshrl.u32 v1, $0x10  }
0x9b: {  	[tilespmem:$0x4140] =	vst v2  }
0x9c: {  	[tilespmem:$0x41C0] =	vst v1  }
0x9d: {  	[tilespmem:s21], [sflag:$0x2] =	stream.indirect.gather [hbm4b:s4+s18], $0x80, s20, s18, $0xb8;
	[tilespmem:$0x1D200] =	vst v63  }
0x9e: {  	_ =	swait.ge [sflag:s22], $0x2800  }
0x9f: {  	[sflag:s22] =	ssyncset.done $0x0  }
0xa0: {  	[sflag:s22] =	ssyncadd.s32 $0xFFFFD800  }
0xa1: {  	[spmem:s2] =	stream.indirect.scatter.add.f32 [tilespmem:s16], [sflag:$0x3], $0x80, s23, s18, $0xb8;
	[tilespmem:$0x1D200] =	vst v63  }
0xa2: {  	_ =	swait.ge [sflag:s17], $0x2800  }
0xa3: {  	[sflag:s17] =	ssyncset.done $0x0  }
0xa4: {  	[sflag:s17] =	ssyncadd.s32 $0xFFFFD800  }
0xa5: {  	v1 =	vld [tilespmem:s29+$0x100];
	_ =	sdelay $0x4  }
0xa6: {  	v2 =	vand.u32 $0xFFFF, v1;
	v1 =	vshrl.u32 v1, $0x10  }
0xa7: {  	[tilespmem:$0x4000] =	vst v2  }
0xa8: {  	[tilespmem:$0x4080] =	vst v1  }
0xa9: {  	v1 =	vld [tilespmem:s29+$0x110];
	_ =	sdelay $0x4  }
0xaa: {  	v2 =	vand.u32 $0xFFFF, v1;
	v1 =	vshrl.u32 v1, $0x10  }
0xab: {  	[tilespmem:$0x4010] =	vst v2  }
0xac: {  	[tilespmem:$0x4090] =	vst v1  }
0xad: {  	v1 =	vld [tilespmem:s29+$0x120];
	_ =	sdelay $0x4  }
0xae: {  	v2 =	vand.u32 $0xFFFF, v1;
	v1 =	vshrl.u32 v1, $0x10  }
0xaf: {  	[tilespmem:$0x4020] =	vst v2  }
0xb0: {  	[tilespmem:$0x40A0] =	vst v1  }
0xb1: {  	v1 =	vld [tilespmem:s29+$0x130];
	_ =	sdelay $0x3  }
.Ltmp1:
0xb2: {  	(pc) =	sbr.rel @p0 .LBB2_4-.Ltmp1, $4  }
0xb3: {  	v2 =	vand.u32 $0xFFFF, v1;
	v1 =	vshrl.u32 v1, $0x10  }
0xb4: {  	[tilespmem:$0x4030] =	vst v2  }
0xb5: {  	[tilespmem:$0x40B0] =	vst v1  }
0xb6: {  	v1 =	vld [tilespmem:s29+$0x140]  }
0xb7: {  	_ =	sdelay $0x3  }
0xb8: {  	v2 =	vand.u32 $0xFFFF, v1  }
0xb9: {  	v1 =	vshrl.u32 v1, $0x10;
	[tilespmem:$0x4040] =	vst v2  }
0xba: {  	[tilespmem:$0x40C0] =	vst v1  }
0xbb: {  	[tilespmem:s16], [sflag:$0x1] =	stream.indirect.gather [hbm4b:s4+s18], $0x80, s19, s18, $0xb8;
	[tilespmem:$0x1D200] =	vst v63  }
0xbc: {  	_ =	swait.ge [sflag:s24], $0x2800  }
0xbd: {  	[sflag:s24] =	ssyncset.done $0x0  }
0xbe: {  	[sflag:s24] =	ssyncadd.s32 $0xFFFFD800  }
0xbf: {  	[spmem:s2] =	stream.indirect.scatter.add.f32 [tilespmem:s21], [sflag:$0x3], $0x80, s25, s18, $0xb8;
	[tilespmem:$0x1D200] =	vst v63  }
0xc0: {  	_ =	swait.ge [sflag:s17], $0x2800  }
0xc1: {  	[sflag:s17] =	ssyncset.done $0x0  }
0xc2: {  	[sflag:s17] =	ssyncadd.s32 $0xFFFFD800  }
0xc3: {  	_ =	swait.ge [sflag:s22], $0x2800  }
0xc4: {  	[sflag:s22] =	ssyncset.done $0x0  }
0xc5: {  	[sflag:s22] =	ssyncadd.s32 $0xFFFFD800  }
0xc6: {  	[spmem:s2] =	stream.indirect.scatter.add.f32 [tilespmem:s16], [sflag:$0x3], $0x80, s23, s18, $0xb8;
	[tilespmem:$0x1D200] =	vst v63  }
0xc7: {  	_ =	swait.ge [sflag:s17], $0x2800  }
0xc8: {  	s28 =	sshll.u32 s1, $0x6;
	s26 =	sadd.s32 $0x1, s26;
	[sflag:s17] =	ssyncset.done $0x0  }
0xc9: {  	s29 =	sshrl.u32 s7, $0x3;
	p0 =	sne.s32 s26, s8;
	[sflag:s17] =	ssyncadd.s32 $0xFFFFD800  }
.Ltmp2:
0xca: {  	s28 =	sor.u32 $0x1C03, s28;
	[bflag:$0x0] =	sbarrier.arrive $0xFFFF;
	(pc) =	sbr.rel @p0 .LBB2_1-.Ltmp2, $4  }
0xcb: {  	[hbm:s6], [sflag:s28] =	dma.local [spmem:s29], $0x2800  }
0xcc: {  	_ =	swait.ge [sflag:s17], $0x2800  }
0xcd: {  	[sflag:s17] =	ssyncset.done $0x0  }
0xce: {  	[sflag:s17] =	ssyncadd.s32 $0xFFFFD800  }
0xcf: {  	_ =	sfence.sel $0x180000  }
0xd0: {  	[bflag:$0x0] =	sbarrier.arrive $0xFFFF  }
0xd1: {  	p0 =	sne.s32 s1, $0x0;
	_ =	strace $0x9000004D  }
0xd2: {  	s0 =	sadd.s32 @!p0 $0x100000, s0;
	[bflag:$0x2] =	sbarrier.arrive $0xFFFF  }
0xd3: {  	[sflag:s0] =	ssyncadd.tile.s32 @!p0 $0x1;
	_ =	shalt  }
.Lfunc_end2:
_tile_overlayer_lowered:
.L_overlay_start_2:
0xd4: {  	(tag) =	ssettag $0x2  }
0xd5: {  	s0 =	rddreg [dreg:$0x0];
	s2 =	stileid.u32  }
0xd6: {  	s1 =	rddreg [dreg:$0x1];
	p0 =	sne.s32 s2, $0x0  }
0xd7: {  	s3 =	rddreg [dreg:$0x2];
	[bflag:$0x3] =	sbarrier.arrive $0xFFFF;
	s2 =	simm.s32 @!p0 $0x1C03  }
0xd8: {  	[timem:s3], [sflag:s2] =	dma.local @!p0 [hbm:s0], s1  }
0xd9: {  	s0 =	simm.s32 @!p0 $0x3  }
0xda: {  	_ =	swait.ge @!p0 [sflag:s0], s1  }
0xdb: {  	s1 =	ssub.s32 @!p0 $0x0, s1;
	[sflag:s0] =	ssyncset.done @!p0 $0x0  }
0xdc: {  	[sflag:s0] =	ssyncadd.s32 @!p0 s1  }
0xdd: {  	[bflag:$0x3] =	sbarrier.arrive $0xFFFF  }
0xde: {  	_ =	shalt  }

// kernel: kernel.8.cloned.1.call-start
scs
__scs_entry_jumppad:
0x0: {  	(pc) =	sbr.rel $0x88, $3  }
0x1: {  	(tag) =	ssettag $0x0;
	lr =	simm.s32 $0x1  }
0x2: {  	[smem:$0x3F97] =	sst lr;
	_ =	strace $0xD0000000  }
0x3: {  	_ = 	snop  }
0x4: {  	_ = 	snop  }
0x5: {  	_ = 	snop  }
0x6: {  	_ = 	snop  }
0x7: {  	_ = 	snop  }
__scs_overlays_trampoline_lowered:
0x8: {  	[smem:$0x3FA6] =	sst s0  }
0x9: {  	[smem:$0x3FA7] =	sst s1  }
0xa: {  	[smem:$0x3FA8] =	sst s2  }
0xb: {  	[smem:$0x3FA9] =	sst s3  }
0xc: {  	[smem:$0x3FAA] =	sst s4  }
0xd: {  	[smem:$0x3FAB] =	sst s5  }
0xe: {  	[smem:$0x3FAC] =	sst s6  }
0xf: {  	[smem:$0x3FAD] =	sst s7  }
0x10: {  	[smem:$0x3FAE] =	sst s8  }
0x11: {  	[smem:$0x3FAF] =	sst s9;
	s0 =	simm.s32 @!p0 $0x0  }
0x12: {  	s1 =	sld [smem:$0x3F95];
	s0 =	simm.s32 @p0 $0x1  }
0x13: {  	[smem:$0x3FB0] =	sst s0;
	s0 =	simm.s32 @!p1 $0x0  }
0x14: {  	s2 =	sld [smem:$0x3F94];
	s0 =	simm.s32 @p1 $0x1  }
0x15: {  	[smem:$0x3FB1] =	sst s0;
	s0 =	simm.s32 @!p2 $0x0  }
0x16: {  	s3 =	sld [smem:$0x3FDB];
	s0 =	simm.s32 @p2 $0x1  }
0x17: {  	s4 =	simm.s32 $0x1BF5;
	[smem:$0x3FB3] =	sst s0  }
0x18: {  	s0 =	sld [smem:$0x3F96];
	_ =	swait.ge [sflag:s4], $0x0  }
0x19: {  	s7 =	sld [smem:$0x3F97]  }
0x1a: {  	s8 =	sadd.s32 $0xFFFFE003, lr  }
0x1b: {  	s9 =	sadd.s32 $0xFFFFFEF7, lr;
	s5 =	simm.s32 $0xFFFFFFFF;
	p2 =	slt.u32 s8, $0xFFFFF086  }
0x1c: {  	p1 =	slt.u32 s9, $0xF7A;
	s5 =	simm.s32 @!p2 $0x0  }
0x1d: {  	s5 =	simm.s32 @p1 $0x1;
	p0 =	seq.s32 s7, s2  }
0x1e: {  	s7 =	smul.u32 @!p0 $0xF7A, s2;
	p2 =	seq.s32 @!p0 s5, $0x0  }
0x1f: {  	s9 =	smul.u32 $0xF7A, s1;
	s8 =	simm.s32 @!p0 $0x1BF5;
	p2 =	por !p2, p0  }
0x20: {  	[sflag:s8] =	ssyncset.s32 @!p0 $0xFFFFF086;
	s6 =	sadd.s32 @!p0 s3, s7;
	s7 =	simm.s32 @!p0 $0x108  }
0x21: {  	s3 =	sadd.s32 s3, s9;
	s6 =	sadd.s32 @!p0 $0x88, s6;
	s7 =	simm.s32 @p2 $0x1082  }
0x22: {  	[simem:s7], [sflag:s8] =	dma.local @!p0 [hbm:s6], $0xF7A  }
0x23: {  	s9 =	sor.u32 $0xD0000000, s2;
	s6 =	simm.s32 $0x108;
	_ =	swait.ge @!p0 [sflag:s8], $0x0  }
0x24: {  	s3 =	sadd.s32 $0x88, s3;
	s6 =	simm.s32 @!p1 $0x1082;
	[sflag:s4] =	ssyncset.s32 $0xFFFFF086  }
0x25: {  	[simem:s6], [sflag:s4] =	dma.local [hbm:s3], $0xF7A  }
0x26: {  	[smem:$0x3F97] =	sst s1;
	(tag) =	ssettag s2;
	_ =	strace s9  }
0x27: {  	s1 =	sld [smem:$0x3FA7]  }
0x28: {  	s2 =	sld [smem:$0x3FA8]  }
0x29: {  	s4 =	sld [smem:$0x3FAA]  }
0x2a: {  	p0 =	seq.s32 s5, $0x0;
	s5 =	sld [smem:$0x3FAB]  }
0x2b: {  	s6 =	sld [smem:$0x3FAC]  }
0x2c: {  	s7 =	sld [smem:$0x3FAD]  }
0x2d: {  	s3 =	simm.s32 $0x108;
	s8 =	sld [smem:$0x3FAE]  }
0x2e: {  	s3 =	simm.s32 @!p0 $0x1082;
	s9 =	sld [smem:$0x3FAF]  }
0x2f: {  	lr =	sadd.s32 s0, s3;
	s0 =	sld [smem:$0x3FA6]  }
0x30: {  	s3 =	sld [smem:$0x3FA9]  }
0x31: {  	[smem:$0x3FB2] =	sst s10  }
0x32: {  	s10 =	sld [smem:$0x3FB0];
	_ =	sdelay $0x3  }
0x33: {  	p0 =	seq.s32 s10, $0x1;
	s10 =	sld [smem:$0x3FB2];
	_ =	sdelay $0x3  }
0x34: {  	[smem:$0x3FB2] =	sst s10  }
0x35: {  	s10 =	sld [smem:$0x3FB1];
	_ =	sdelay $0x3  }
0x36: {  	p1 =	seq.s32 s10, $0x1;
	s10 =	sld [smem:$0x3FB2];
	_ =	sdelay $0x3  }
0x37: {  	[smem:$0x3FB2] =	sst s10  }
0x38: {  	s10 =	sld [smem:$0x3FB3]  }
0x39: {  	_ = 	snop;
	(pc) =	sbr.ind lr, $3  }
0x3a: {  	_ = 	snop  }
0x3b: {  	_ = 	snop  }
0x3c: {  	p2 =	seq.s32 s10, $0x1;
	s10 =	sld [smem:$0x3FB2]  }
0x3d: {  	_ =	shalt  }
0x3e: {  	_ =	shalt  }
0x3f: {  	_ =	shalt  }
0x40: {  	_ =	shalt  }
0x41: {  	_ =	shalt  }
0x42: {  	_ =	shalt  }
0x43: {  	_ =	shalt  }
0x44: {  	_ =	shalt  }
0x45: {  	_ =	shalt  }
0x46: {  	_ =	shalt  }
0x47: {  	_ =	shalt  }
0x48: {  	_ =	shalt  }
0x49: {  	_ =	shalt  }
0x4a: {  	_ =	shalt  }
0x4b: {  	_ =	shalt  }
0x4c: {  	_ =	shalt  }
0x4d: {  	_ =	shalt  }
0x4e: {  	_ =	shalt  }
0x4f: {  	_ =	shalt  }
0x50: {  	_ =	shalt  }
0x51: {  	_ =	shalt  }
0x52: {  	_ =	shalt  }
0x53: {  	_ =	shalt  }
0x54: {  	_ =	shalt  }
0x55: {  	_ =	shalt  }
0x56: {  	_ =	shalt  }
0x57: {  	_ =	shalt  }
0x58: {  	_ =	shalt  }
0x59: {  	_ =	shalt  }
0x5a: {  	_ =	shalt  }
0x5b: {  	_ =	shalt  }
0x5c: {  	_ =	shalt  }
0x5d: {  	_ =	shalt  }
0x5e: {  	_ =	shalt  }
0x5f: {  	_ =	shalt  }
0x60: {  	_ =	shalt  }
0x61: {  	_ =	shalt  }
0x62: {  	_ =	shalt  }
0x63: {  	_ =	shalt  }
0x64: {  	_ =	shalt  }
0x65: {  	_ =	shalt  }
0x66: {  	_ =	shalt  }
0x67: {  	_ =	shalt  }
0x68: {  	_ =	shalt  }
0x69: {  	_ =	shalt  }
0x6a: {  	_ =	shalt  }
0x6b: {  	_ =	shalt  }
0x6c: {  	_ =	shalt  }
0x6d: {  	_ =	shalt  }
0x6e: {  	_ =	shalt  }
0x6f: {  	_ =	shalt  }
0x70: {  	_ =	shalt  }
0x71: {  	_ =	shalt  }
0x72: {  	_ =	shalt  }
0x73: {  	_ =	shalt  }
0x74: {  	_ =	shalt  }
0x75: {  	_ =	shalt  }
0x76: {  	_ =	shalt  }
0x77: {  	_ =	shalt  }
0x78: {  	_ =	shalt  }
0x79: {  	_ =	shalt  }
0x7a: {  	_ =	shalt  }
0x7b: {  	_ =	shalt  }
0x7c: {  	_ =	shalt  }
0x7d: {  	_ =	shalt  }
0x7e: {  	_ =	shalt  }
0x7f: {  	_ =	shalt  }
0x80: {  	_ =	shalt  }
0x81: {  	_ =	shalt  }
0x82: {  	_ =	shalt  }
0x83: {  	_ =	shalt  }
0x84: {  	_ =	shalt  }
0x85: {  	_ =	shalt  }
0x86: {  	_ =	shalt  }
0x87: {  	_ =	shalt  }
.Lfunc_end0:
.L_simem_size_0:
called_computation_lowered:
.L_overlay_start_0:
0x88: {  	s2 =	sld [smem:$0x3FD9]  }
0x89: {  	s3 =	sld [smem:$0x3FFE];
	_ =	sdelay $0x1  }
0x8a: {  	s1 =	srdreg.scid  }
0x8b: {  	s0 =	sand.u32 $0x1, s1  }
0x8c: {  	s16 =	sshll.u32 s0, $0xA;
	s2 =	sadd.s32 s3, s2  }
0x8d: {  	s2 =	sadd.s32 s2, s16  }
0x8e: {  	[smem:$0x3FBE] =	sst s2  }
0x8f: {  	_ = 	snop  }
0x90: {  	(tm) =	ssettm $0x1  }
0x91: {  	s17 =	sld [smem:$0x3FFB];
	_ =	sdelay $0x3  }
0x92: {  	_ =	strace s17  }
0x93: {  	s2 =	sld [smem:$0x3FFC];
	_ =	sdelay $0x3  }
0x94: {  	_ =	strace s2  }
0x95: {  	s2 =	sld [smem:$0x3FFD];
	_ =	sdelay $0x3  }
0x96: {  	_ =	strace s2  }
0x97: {  	_ =	strace $0x8FFFFFFF  }
0x98: {  	s18 =	sld [smem:$0x3FDB];
	_ =	sdelay $0x1  }
0x99: {  	s19 =	simm.s32 $_scs_section_size  }
0x9a: {  	s4 =	simm.s32 $_size__tile_overlayer_lowered;
	s5 =	simm.s32 $_tile_overlayer_lowered  }
0x9b: {  	s22 =	simm.s32 $0x1BFF;
	s21 =	sshll.u32 s5, $0x1;
	s2 =	sadd.s32 s19, s18  }
0x9c: {  	s6 =	simm.s32 $0x0;
	s20 =	sshll.u32 s4, $0x1;
	s4 =	sadd.s32 s21, s2  }
0x9d: {  	[timem:s6], [sflag:s22] =	dma.local [hbm:s4], s20  }
0x9e: {  	_ =	swait.ge [sflag:s22], s20  }
0x9f: {  	s3 =	ssub.s32 $0x0, s20;
	[sflag:s22] =	ssyncset.done $0x0  }
0xa0: {  	[sflag:s22] =	ssyncadd.s32 s3;
	_ =	sdelay $0x1  }
0xa1: {  	s23 =	simm.s32 $0x1B8B  }
0xa2: {  	_ =	swait.ge [sflag:s23], $0x1  }
0xa3: {  	[sflag:s23] =	ssyncset.done $0x0  }
0xa4: {  	s25 =	simm.s32 $0x1B8E;
	s24 =	sld [smem:$0x3FFE];
	[sflag:s23] =	ssyncadd.s32 $0xFFFFFFFF  }
0xa5: {  	s26 =	simm.s32 $execute0_lowered;
	[smem:$0x3FD2] =	sst s25  }
0xa6: {  	s4 =	sshll.u32 s26, $0x1;
	_ =	strace $0x80000046;
	[dreg:$0x1] =	wrdreg $0xFFFFFFFF  }
0xa7: {  	s28 =	simm.s32 $_size_execute0_lowered;
	s2 =	sadd.s32 s2, s4;
	[dreg:$0x0] =	wrdreg $0x0  }
0xa8: {  	s4 =	sshll.u32 s28, $0x1;
	[dreg:$0x2] =	wrdreg s2  }
0xa9: {  	[dreg:$0x3] =	wrdreg s4  }
0xaa: {  	[dreg:$0x4] =	wrdreg $0xC0  }
0xab: {  	_ =	task [dreg:s6], $0x5FFFF  }
0xac: {  	[dreg:$0x1] =	wrdreg $0xFFFFFFFF  }
0xad: {  	[dreg:$0x0] =	wrdreg $0x60  }
0xae: {  	[dreg:$0x2] =	wrdreg s24  }
0xaf: {  	[dreg:$0x3] =	wrdreg $0x43000  }
0xb0: {  	[dreg:$0x4] =	wrdreg $0x9  }
0xb1: {  	_ =	task.clear_ibuf [dreg:s6], $0x5FFFF;
	_ =	strace $0x90000046  }
0xb2: {  	s29 =	simm.s32 $0x9;
	_ =	strace $0x80000048  }
0xb3: {  	_ =	swait.ge [sflag:s29], $0x1  }
0xb4: {  	[sflag:s29] =	ssyncadd.s32 $0xFFFFFFFF  }
0xb5: {  	_ =	strace $0x90000048  }
0xb6: {  	_ =	sfence  }
0xb7: {  	s30 =	sld [smem:$0x0];
	_ =	sdelay $0x2  }
0xb8: {  	s31 =	sshll.u32 s1, $0xD;
	s1 =	sshrl.u32 s1, $0x2  }
0xb9: {  	s3 =	sand.u32 $0x4000, s31;
	s1 =	sadd.s32 s1, s30  }
0xba: {  	s0 =	sor.u32 s3, s0;
	s1 =	sshll.u32 s1, $0x11  }
0xbb: {  	s0 =	sor.u32 s1, s0  }
0xbc: {  	s0 =	sadd.s32 $0x8F2B, s0  }
0xbd: {  	[sflag:s0] =	ssyncadd.remote.s32 $0x1  }
0xbe: {  	_ =	sfence.sel $0xFFFF  }
0xbf: {  	[dreg:$0x0] =	wrdreg $0xFFFFFFFF;
	(pc) =	sbr.abs _section_cstart, $3  }
0xc0: {  	[dreg:$0x1] =	wrdreg $0xFFFFFFFF  }
0xc1: {  	_ =	task.clear_ibuf [dreg:s6], $0x2FFFF;
	_ =	strace $0x9FFFFFFF  }
0xc2: {  	(tm) =	ssettm $0x7FFFFFFF  }
0xc3: {  	_ =	shalt  }
tec
execute0_lowered:
.L_overlay_start_1:
0x0: {  	(tag) =	ssettag $0x1  }
0x1: {  	s4 =	rddreg [dreg:$0x0]  }
0x2: {  	s2 =	rddreg [dreg:$0x1]  }
0x3: {  	s0 =	rddreg [dreg:$0x2];
	s1 =	stileid.u32  }
0x4: {  	s5 =	srdreg.scid;
	s3 =	simm.s32 $0x0;
	s10 =	simm.s32 $0x50  }
0x5: {  	s11 =	simm.s32 $0x4000;
	s14 =	simm.s32 $0x20;
	s15 =	simm.s32 $0x10  }
0x6: {  	s16 =	simm.s32 $0x0;
	s5 =	sand.u32 $0x1, s5;
	s6 =	smul.u32 $0x500, s1  }
0x7: {  	[smem:$0x7FF] =	sst s3;
	s8 =	sshll.u32 s1, $0xB;
	s29 =	smul.u32 $0xA00, s1  }
0x8: {  	s12 =	sshll.u32 s1, $0x6;
	s7 =	sshll.u32 s5, $0x7;
	_ =	strace $0x80000047  }
0x9: {  	s28 =	sadd.s32 s8, s4;
	s30 =	ssub.s32 $0x2, s5;
	s5 =	sshll.u32 s5, $0xF  }
0xa: {  	s12 =	sor.u32 $0x1C01, s12;
	s6 =	sor.u32 s7, s6;
	s9 =	sshrl.u32 s30, $0x1  }
0xb: {  	s8 =	sshrl.u32 s29, $0x2;
	s5 =	sadd.s32 s5, s28;
	s6 =	sshrl.u32 s6, $0x3  }
0xc: {  	s31 =	ssub.s32 s30, s9;
	s5 =	sadd.s32 $0x12C00, s5;
	s9 =	simm.s32 $0x1  }
0xd: {  	s6 =	sadd.s32 s6, s4;
	s4 =	sadd.s32 s8, s2;
	s7 =	smax.u32 s31, $0x1  }
0xe: {  	v0 =	vimm.f32 $1.000000000e+00;
	v1 =	vimm.f32 $0.0e+00;
	s8 =	simm.s32 $0x4080;
	s6 =	sadd.s32 $0x22C00, s6;
	s13 =	sshrl.u32 s4, $0x3  }
.LBB2_1:
0xf: {  	[tilespmem:$0x4000] =	vst v0  }
0x10: {  	[tilespmem:$0x4010] =	vst v0  }
0x11: {  	[tilespmem:$0x4020] =	vst v0  }
0x12: {  	[tilespmem:$0x4030] =	vst v0  }
0x13: {  	[tilespmem:$0x4040] =	vst v0  }
0x14: {  	[tilespmem:$0x4080] =	vst v1  }
0x15: {  	[tilespmem:$0x4090] =	vst v1  }
0x16: {  	[tilespmem:$0x40A0] =	vst v1  }
0x17: {  	[tilespmem:$0x40B0] =	vst v1  }
0x18: {  	[tilespmem:$0x40C0] =	vst v1  }
0x19: {  	[tilespmem:$0x40D0] =	vst v1  }
0x1a: {  	[tilespmem:$0x40E0] =	vst v1  }
0x1b: {  	[tilespmem:$0x40F0] =	vst v1  }
0x1c: {  	[tilespmem:$0x4100] =	vst v1  }
0x1d: {  	[tilespmem:$0x4110] =	vst v1  }
0x1e: {  	[tilespmem:$0x4120] =	vst v1  }
0x1f: {  	[tilespmem:$0x4130] =	vst v1  }
0x20: {  	[tilespmem:$0x4140] =	vst v1  }
0x21: {  	[tilespmem:$0x4150] =	vst v1  }
0x22: {  	[tilespmem:$0x4160] =	vst v1  }
0x23: {  	[tilespmem:$0x4170] =	vst v1  }
0x24: {  	[tilespmem:$0x4180] =	vst v1  }
0x25: {  	[tilespmem:$0x4190] =	vst v1  }
0x26: {  	[tilespmem:$0x41A0] =	vst v1  }
0x27: {  	[tilespmem:$0x41B0] =	vst v1  }
0x28: {  	[tilespmem:$0x41C0] =	vst v1  }
0x29: {  	[tilespmem:$0x41D0] =	vst v1  }
0x2a: {  	[tilespmem:$0x41E0] =	vst v1  }
0x2b: {  	[tilespmem:$0x41F0] =	vst v1  }
0x2c: {  	[tilespmem:$0x4200] =	vst v1  }
0x2d: {  	[tilespmem:$0x4210] =	vst v1  }
0x2e: {  	[tilespmem:$0x4220] =	vst v1  }
0x2f: {  	[tilespmem:$0x4230] =	vst v1  }
0x30: {  	[tilespmem:$0x4240] =	vst v1  }
0x31: {  	[tilespmem:$0x4250] =	vst v1  }
0x32: {  	[tilespmem:$0x4260] =	vst v1  }
0x33: {  	[tilespmem:$0x4270] =	vst v1  }
0x34: {  	[tilespmem:$0x4280] =	vst v1  }
0x35: {  	[tilespmem:$0x4290] =	vst v1  }
0x36: {  	[tilespmem:$0x42A0] =	vst v1  }
0x37: {  	[tilespmem:$0x42B0] =	vst v1  }
0x38: {  	[tilespmem:$0x42C0] =	vst v1  }
0x39: {  	[tilespmem:$0x42D0] =	vst v1  }
0x3a: {  	[tilespmem:$0x42E0] =	vst v1  }
0x3b: {  	[tilespmem:$0x42F0] =	vst v1  }
0x3c: {  	[spmem:s4] =	stream.linear.scatter [tilespmem:s8], [sflag:$0x1], $0x280, $0x38;
	[tilespmem:$0x4580] =	vst v63  }
0x3d: {  	_ =	swait.ge [sflag:s9], $0x280  }
0x3e: {  	[sflag:s9] =	ssyncset.done $0x0  }
0x3f: {  	[sflag:s9] =	ssyncadd.s32 $0xFFFFFD80  }
0x40: {  	[bflag:$0x0] =	sbarrier.arrive $0xFFFF  }
0x41: {  	[tilespmem:s3], [sflag:$0x1] =	stream.linear.gather [hbm4b:s5+s3], $0x3E80, $0x38;
	[tilespmem:$0x4580] =	vst v63  }
0x42: {  	_ =	swait.ge [sflag:s9], $0x3E80  }
0x43: {  	[sflag:s9] =	ssyncset.done $0x0  }
0x44: {  	s17 =	simm.s32 $0x0;
	[sflag:s9] =	ssyncadd.s32 $0xFFFFC180  }
0x45: {  	[spmem:s2] =	stream.indirect.scatter.add.f32 [tilespmem:s11], [sflag:$0x1], $0x1, s17, s10, $0xb8;
	[tilespmem:$0x4580] =	vst v63  }
0x46: {  	_ =	swait.ge [sflag:s9], $0x50  }
0x47: {  	s17 =	simm.s32 $0x200;
	[sflag:s9] =	ssyncset.done $0x0  }
.LBB2_2:
0x48: {  	s18 =	sshra.s32 s17, $0x2;
	[sflag:s9] =	ssyncadd.s32 $0xFFFFFFB0;
	p0 =	sne.s32 s17, $0xF800  }
0x49: {  	[spmem:s2] =	stream.indirect.scatter.add.f32 [tilespmem:s11], [sflag:$0x1], $0x1, s18, s10, $0xb8;
	[tilespmem:$0x4580] =	vst v63  }
.Ltmp0:
0x4a: {  	_ = 	snop;
	(pc) =	sbr.rel @p0 .LBB2_2-.Ltmp0, $4  }
0x4b: {  	_ = 	snop  }
0x4c: {  	s17 =	sadd.s32 $0x200, s17  }
0x4d: {  	_ =	swait.ge [sflag:s9], $0x50  }
0x4e: {  	[sflag:s9] =	ssyncset.done $0x0  }
0x4f: {  	s16 =	sadd.s32 $0x1, s16  }
0x50: {  	[sflag:s9] =	ssyncadd.s32 $0xFFFFFFB0;
	p0 =	sne.s32 s16, s7  }
.Ltmp1:
0x51: {  	[bflag:$0x0] =	sbarrier.arrive $0xFFFF;
	(pc) =	sbr.rel @p0 .LBB2_1-.Ltmp1, $4  }
0x52: {  	[hbm:s6@s14], [sflag:s12] =	dma.strided [spmem:s13@s15], $0x50, s9, $0x10   }
0x53: {  	_ =	swait.ge [sflag:s9], $0x50  }
0x54: {  	[sflag:s9] =	ssyncset.done $0x0  }
0x55: {  	[sflag:s9] =	ssyncadd.s32 $0xFFFFFFB0  }
0x56: {  	_ =	sfence.sel $0x180000  }
0x57: {  	[bflag:$0x0] =	sbarrier.arrive $0xFFFF  }
0x58: {  	p0 =	sne.s32 s1, $0x0;
	_ =	strace $0x90000047  }
0x59: {  	s0 =	sadd.s32 @!p0 $0x100000, s0;
	[bflag:$0x2] =	sbarrier.arrive $0xFFFF  }
0x5a: {  	[sflag:s0] =	ssyncadd.tile.s32 @!p0 $0x1;
	_ =	shalt  }
.Lfunc_end2:
_tile_overlayer_lowered:
.L_overlay_start_2:
0x5b: {  	(tag) =	ssettag $0x2  }
0x5c: {  	s0 =	rddreg [dreg:$0x0];
	s2 =	stileid.u32  }
0x5d: {  	s1 =	rddreg [dreg:$0x1];
	p0 =	sne.s32 s2, $0x0  }
0x5e: {  	s3 =	rddreg [dreg:$0x2];
	[bflag:$0x3] =	sbarrier.arrive $0xFFFF;
	s2 =	simm.s32 @!p0 $0x1C01  }
0x5f: {  	[timem:s3], [sflag:s2] =	dma.local @!p0 [hbm:s0], s1  }
0x60: {  	s0 =	simm.s32 @!p0 $0x1  }
0x61: {  	_ =	swait.ge @!p0 [sflag:s0], s1  }
0x62: {  	s1 =	ssub.s32 @!p0 $0x0, s1;
	[sflag:s0] =	ssyncset.done @!p0 $0x0  }
0x63: {  	[sflag:s0] =	ssyncadd.s32 @!p0 s1  }
0x64: {  	[bflag:$0x3] =	sbarrier.arrive $0xFFFF  }
0x65: {  	_ =	shalt  }

</sc_bundles>
